<compile_context>
chip_gen: v7x
topology: tpu7x:2x2x1
jax: 0.10.2.dev20260603
libtpu: 0.0.44.dev20260713+nightly
codegen_flags: <defaults>
</compile_context>

<pallas_src>
import functools

import jax
import jax.numpy as jnp
from jax import lax
from jax.experimental import pallas as pl
from jax.experimental.pallas import tpu as pltpu
from jax.experimental.pallas import tpu_sc as plsc

_NV = 10000
_NC = 42000
_K = 3
_B = 128
_NSUB = 16
_CPW = _NC // _NSUB
_FULL = _CPW // 16
_REM = _CPW - _FULL * 16
_WIN = 2640
_BUF = 2656
_THRESH = float(_NC - 1 + _NSUB * (16 - _REM))


def _sat_body(emb_hbm, lit_hbm, out_hbm,
              table_v, l0, l1, l2, part_v, part_sh, all_v, out_v,
              sem_t, sem_w):
    cid = lax.axis_index("c")
    sid = lax.axis_index("s")
    start = sid * _CPW
    astart = pl.multiple_of(jnp.minimum((start // 8) * 8, _NC - _WIN), 8)
    delta = start - astart
    bufs = (l0, l1, l2)
    cp_t = pltpu.make_async_copy(emb_hbm.at[0], table_v, sem_t)
    cp_t.start()
    for j in range(_K):
        off = pl.multiple_of(j * _NC + astart, 8)
        pltpu.make_async_copy(lit_hbm.at[pl.ds(off, _WIN)],
                              bufs[j].at[pl.ds(0, _WIN)], sem_w).start()
    for j in range(_K):
        pltpu.make_async_copy(lit_hbm.at[pl.ds(0, _WIN)],
                              bufs[j].at[pl.ds(0, _WIN)], sem_w).wait()

    cp_t.wait()
    lanes = lax.iota(jnp.int32, 16)

    @plsc.parallel_loop(0, _FULL, carry=jnp.zeros((16,), jnp.float32),
                        unroll=8)
    def acc(i, acc_in):
        base = delta + i * 16
        sat = None
        for j in range(_K):
            p = bufs[j][pl.ds(base, 16)]
            lit = lax.shift_right_logical(p, 1)
            ev = plsc.load_gather(table_v, [lit])
            t = (ev < 0.0) == ((p & 1) == 1)
            sat = t if sat is None else jnp.logical_or(sat, t)
        return acc_in + jnp.where(sat, 1.0, -1.0)

    valid = lanes < _REM
    base = delta + _FULL * 16
    sat = None
    for j in range(_K):
        p = bufs[j][pl.ds(base, 16)]
        lit = jnp.where(valid, lax.shift_right_logical(p, 1), 0)
        ev = plsc.load_gather(table_v, [lit])
        t = (ev < 0.0) == ((p & 1) == 1)
        sat = t if sat is None else jnp.logical_or(sat, t)
    acc = acc + jnp.where(jnp.logical_or(sat, jnp.logical_not(valid)),
                          1.0, -1.0)

    part_v[...] = acc
    pltpu.sync_copy(part_v, part_sh.at[sid])
    plsc.subcore_barrier()

    @pl.when(jnp.logical_and(cid == 0, sid == 0))
    def _finish():
        pltpu.sync_copy(part_sh, all_v)
        tot = all_v[0]
        for r in range(1, _NSUB):
            tot = tot + all_v[r]
        total = jnp.sum(tot)
        res = jnp.sign(total - _THRESH)
        resv = jnp.full((16,), res, jnp.float32)
        for k in range(_B // 16):
            out_v[pl.ds(k * 16, 16)] = resv
        pltpu.sync_copy(out_v, out_hbm)


@functools.lru_cache(maxsize=1)
def _build():
    mesh = plsc.VectorSubcoreMesh(
        core_axis_name="c", subcore_axis_name="s",
        num_cores=2, num_subcores=_NSUB,
    )
    return pl.kernel(
        _sat_body,
        out_type=jax.ShapeDtypeStruct((_B,), jnp.float32),
        mesh=mesh,
        compiler_params=pltpu.CompilerParams(needs_layout_passes=False),
        scratch_types=[
            pltpu.VMEM((_NV,), jnp.float32),
            pltpu.VMEM((_BUF,), jnp.int32),
            pltpu.VMEM((_BUF,), jnp.int32),
            pltpu.VMEM((_BUF,), jnp.int32),
            pltpu.VMEM((16,), jnp.float32),
            pltpu.VMEM_SHARED((_NSUB, 16), jnp.float32),
            pltpu.VMEM((_NSUB, 16), jnp.float32),
            pltpu.VMEM((_B,), jnp.float32),
            pltpu.SemaphoreType.DMA,
            pltpu.SemaphoreType.DMA,
        ],
    )


def kernel(input, emb_weight, or_weight, clause_idx):
    del input
    packed = lax.shift_left(clause_idx, 1) | (or_weight < 0).astype(jnp.int32)
    return _build()(emb_weight, packed.T.reshape(-1))

# --- scband reference (transcript-rebuilt; emitter-appended) ---
"""Pipeline reference for scband-circuit-32693291057891 (READ-ONLY COPY).

The authoritative reference and input builder live on the scoring server;
editing this copy changes nothing except your own understanding.
"""

import jax, jax.numpy as jnp
import numpy as np

NV = 10000   # number of boolean variables (problems.nv)
NC = 42000   # number of clauses (ratio ~4.2 for random 3-SAT)
K = 3        # literals per clause
B = 128      # batch of assignments (all index 0 into the single-row embedding)

# Sgn: sign activation with straight-through estimator (custom autograd fn in torch)
@jax.custom_vjp
def sgn(x):
    return jnp.sign(x)

def _sgn_fwd(x):
    return jnp.sign(x), x

def _sgn_bwd(res, g):
    x = res
    return (g * (jnp.abs(x) <= 1.0).astype(g.dtype),)

sgn.defvjp(_sgn_fwd, _sgn_bwd)


def setup_inputs(seed: int = 0) -> dict:
    key = jax.random.key(seed)
    k1, k2, k3 = jax.random.split(key, 3)
    # forward input: indices into nn.Embedding(1, nv) -> must all be 0
    inp = jnp.zeros((B,), dtype=jnp.int32)
    # EMB weight [1, NV]; first 4 entries hard-set as in __init__
    emb_weight = jax.random.normal(k1, (1, NV), dtype=jnp.float32)
    emb_weight = emb_weight.at[0, 0].set(1.0).at[0, 1].set(-1.0)
    emb_weight = emb_weight.at[0, 2].set(-1.0).at[0, 3].set(1.0)
    # clauses: idx[i,j] = abs(literal)-1 ; sign = sign(literal)
    clause_idx = jax.random.randint(k2, (NC, K), 0, NV, dtype=jnp.int32)
    lit_sign = jnp.where(jax.random.bernoulli(k3, 0.5, (NC, K)), 1.0, -1.0).astype(jnp.float32)
    # OR layer dense weights: init ones, multiplied in-place by literal signs
    or_weight = jnp.ones((NC, K), dtype=jnp.float32) * lit_sign
    return {"input": inp, "emb_weight": emb_weight, "or_weight": or_weight, "clause_idx": clause_idx}


def reference(input, emb_weight, or_weight, clause_idx):
    # EMB: embedding lookup then sign activation -> +/-1 variable assignment [B, NV]
    x = sgn(jnp.take(emb_weight, input, axis=0))
    # per-clause gather of literal variables: x[:, idx] -> [B, NC, K]
    gathered = x[:, clause_idx]
    # OR gate over +/-1 inputs: sign(sum_j w_j * x_j + (K-1)); w_j = literal sign
    clause_pre = jnp.sum(or_weight[None, :, :] * gathered, axis=-1) + (K - 1)
    intermediate_out = sgn(clause_pre)  # [B, NC]
    # AND gate over all clauses: sign(sum_i c_i - (NC-1)) -> [B]
    out = sgn(jnp.sum(intermediate_out, axis=-1) - (NC - 1))
    return out

if __name__ == "__main__":
    import jax
    _d = setup_inputs()
    print(jax.jit(kernel)(*tuple(_d.values())))

</pallas_src>

<mosaic_0001>
#map = affine_map<(d0, d1) -> (0, 0)>
#map1 = affine_map<(d0, d1) -> (0)>
module attributes {stable_mosaic.version = 14 : i64} {
  func.func @_sat_body(%arg0: i32, %arg1: i32, %arg2: memref<1x10000xf32, #tpu.memory_space<hbm>>, %arg3: memref<126000xi32, #tpu.memory_space<hbm>>, %arg4: memref<128xf32, #tpu.memory_space<hbm>>, %arg5: memref<10000xf32, #tpu.memory_space<vmem>>, %arg6: memref<2656xi32, #tpu.memory_space<vmem>>, %arg7: memref<2656xi32, #tpu.memory_space<vmem>>, %arg8: memref<2656xi32, #tpu.memory_space<vmem>>, %arg9: memref<16xf32, #tpu.memory_space<vmem>>, %arg10: memref<16x16xf32, #tpu.memory_space<vmem_shared>>, %arg11: memref<16x16xf32, #tpu.memory_space<vmem>>, %arg12: memref<128xf32, #tpu.memory_space<vmem>>, %arg13: memref<!tpu.dma_semaphore, #tpu.memory_space<semaphore_mem>>, %arg14: memref<!tpu.dma_semaphore, #tpu.memory_space<semaphore_mem>>) attributes {dimension_semantics = [#tpu.dimension_semantics<core_parallel>, #tpu.dimension_semantics<subcore_parallel>], iteration_bounds = array<i64: 2, 16>, scalar_prefetch = 0 : i64, scratch_operands = 10 : i64, tpu.core_type = #tpu.core_type<sc_vector_subcore>, window_params = [{transform_indices = #map}, {transform_indices = #map1}, {transform_indices = #map1}]} {
    %mul3A = arith.constant 2625 : i32
    %mul3A_0 = arith.muli %arg1, %mul3A : i32
    %jit3A = arith.constant 8 : i32
    %div3A = arith.divsi %mul3A_0, %jit3A : i32
    %sign3A = arith.constant 0 : i32
    %sign3A_1 = arith.cmpi sgt, %mul3A_0, %sign3A : i32
    %sign3A_2 = arith.extui %sign3A_1 : i1 to i32
    %sign3A_3 = arith.constant 0 : i32
    %sign3A_4 = arith.cmpi slt, %mul3A_0, %sign3A_3 : i32
    %sign3A_5 = arith.extui %sign3A_4 : i1 to i32
    %sign3A_6 = arith.subi %sign3A_2, %sign3A_5 : i32
    %sign3A_7 = arith.constant 0 : i32
    %sign3A_8 = arith.cmpi sgt, %jit3A, %sign3A_7 : i32
    %sign3A_9 = arith.extui %sign3A_8 : i1 to i32
    %sign3A_10 = arith.constant 0 : i32
    %sign3A_11 = arith.cmpi slt, %jit3A, %sign3A_10 : i32
    %sign3A_12 = arith.extui %sign3A_11 : i1 to i32
    %sign3A_13 = arith.subi %sign3A_9, %sign3A_12 : i32
    %ne3A = arith.cmpi ne, %sign3A_6, %sign3A_13 : i32
    %rem3A = arith.remsi %mul3A_0, %jit3A : i32
    %ne3A_14 = arith.constant 0 : i32
    %ne3A_15 = arith.cmpi ne, %rem3A, %ne3A_14 : i32
    %and3A = arith.andi %ne3A, %ne3A_15 : i1
    %sub3A = arith.constant 1 : i32
    %sub3A_16 = arith.subi %div3A, %sub3A : i32
    %select_n3A = arith.select %and3A, %sub3A_16, %div3A : i32
    %mul3A_17 = arith.constant 8 : i32
    %mul3A_18 = arith.muli %select_n3A, %mul3A_17 : i32
    %min3A = arith.constant 39360 : i32
    %min3A_19 = arith.minsi %mul3A_18, %min3A : i32
    %multiple_of3A = tpu.assume_multiple %min3A_19, 8 : i32
    %sub3A_20 = arith.subi %mul3A_0, %multiple_of3A : i32
    %dma_start3A = arith.constant 0 : i32
    %dma_start3A_21 = arith.constant 0 : i32
    %dma_start3A_22 = tpu.memref_slice %arg2[%dma_start3A, %dma_start3A_21] : memref<1x10000xf32, #tpu.memory_space<hbm>> -> memref<1x10000xf32, #tpu.memory_space<hbm>>
    %dma_start3A_23 = tpu.memref_squeeze %dma_start3A_22 : memref<1x10000xf32, #tpu.memory_space<hbm>> -> memref<10000xf32, #tpu.memory_space<hbm>>
    %dma_start3A_24 = arith.constant 0 : i32
    %dma_start3A_25 = tpu.memref_slice %arg2[%dma_start3A, %dma_start3A_24] : memref<1x10000xf32, #tpu.memory_space<hbm>> -> memref<1x10000xf32, #tpu.memory_space<hbm>>
    %dma_start3A_26 = tpu.memref_squeeze %dma_start3A_25 : memref<1x10000xf32, #tpu.memory_space<hbm>> -> memref<10000xf32, #tpu.memory_space<hbm>>
    tpu.enqueue_dma source(%dma_start3A_26 : memref<10000xf32, #tpu.memory_space<hbm>>) target(%arg5 : memref<10000xf32, #tpu.memory_space<vmem>>) target_semaphore(%arg13 : memref<!tpu.dma_semaphore, #tpu.memory_space<semaphore_mem>>)
    %add3A = arith.constant 0 : i32
    %add3A_27 = arith.addi %add3A, %multiple_of3A : i32
    %multiple_of3A_28 = tpu.assume_multiple %add3A_27, 8 : i32
    %dma_start3A_29 = arith.constant 0 : i32
    %dma_start3A_30 = tpu.memref_slice %arg6[%dma_start3A_29] : memref<2656xi32, #tpu.memory_space<vmem>> -> memref<2640xi32, #tpu.memory_space<vmem>>
    %dma_start3A_31 = tpu.memref_slice %arg3[%multiple_of3A_28] : memref<126000xi32, #tpu.memory_space<hbm>> -> memref<2640xi32, #tpu.memory_space<hbm>>
    %dma_start3A_32 = arith.constant 0 : i32
    %dma_start3A_33 = tpu.memref_slice %arg6[%dma_start3A_32] : memref<2656xi32, #tpu.memory_space<vmem>> -> memref<2640xi32, #tpu.memory_space<vmem>>
    %dma_start3A_34 = tpu.memref_slice %arg3[%multiple_of3A_28] : memref<126000xi32, #tpu.memory_space<hbm>> -> memref<2640xi32, #tpu.memory_space<hbm>>
    tpu.enqueue_dma source(%dma_start3A_34 : memref<2640xi32, #tpu.memory_space<hbm>>) target(%dma_start3A_33 : memref<2640xi32, #tpu.memory_space<vmem>>) target_semaphore(%arg14 : memref<!tpu.dma_semaphore, #tpu.memory_space<semaphore_mem>>)
    %add3A_35 = arith.constant 42000 : i32
    %add3A_36 = arith.addi %add3A_35, %multiple_of3A : i32
    %multiple_of3A_37 = tpu.assume_multiple %add3A_36, 8 : i32
    %dma_start3A_38 = arith.constant 0 : i32
    %dma_start3A_39 = tpu.memref_slice %arg7[%dma_start3A_38] : memref<2656xi32, #tpu.memory_space<vmem>> -> memref<2640xi32, #tpu.memory_space<vmem>>
    %dma_start3A_40 = tpu.memref_slice %arg3[%multiple_of3A_37] : memref<126000xi32, #tpu.memory_space<hbm>> -> memref<2640xi32, #tpu.memory_space<hbm>>
    %dma_start3A_41 = arith.constant 0 : i32
    %dma_start3A_42 = tpu.memref_slice %arg7[%dma_start3A_41] : memref<2656xi32, #tpu.memory_space<vmem>> -> memref<2640xi32, #tpu.memory_space<vmem>>
    %dma_start3A_43 = tpu.memref_slice %arg3[%multiple_of3A_37] : memref<126000xi32, #tpu.memory_space<hbm>> -> memref<2640xi32, #tpu.memory_space<hbm>>
    tpu.enqueue_dma source(%dma_start3A_43 : memref<2640xi32, #tpu.memory_space<hbm>>) target(%dma_start3A_42 : memref<2640xi32, #tpu.memory_space<vmem>>) target_semaphore(%arg14 : memref<!tpu.dma_semaphore, #tpu.memory_space<semaphore_mem>>)
    %add3A_44 = arith.constant 84000 : i32
    %add3A_45 = arith.addi %add3A_44, %multiple_of3A : i32
    %multiple_of3A_46 = tpu.assume_multiple %add3A_45, 8 : i32
    %dma_start3A_47 = arith.constant 0 : i32
    %dma_start3A_48 = tpu.memref_slice %arg8[%dma_start3A_47] : memref<2656xi32, #tpu.memory_space<vmem>> -> memref<2640xi32, #tpu.memory_space<vmem>>
    %dma_start3A_49 = tpu.memref_slice %arg3[%multiple_of3A_46] : memref<126000xi32, #tpu.memory_space<hbm>> -> memref<2640xi32, #tpu.memory_space<hbm>>
    %dma_start3A_50 = arith.constant 0 : i32
    %dma_start3A_51 = tpu.memref_slice %arg8[%dma_start3A_50] : memref<2656xi32, #tpu.memory_space<vmem>> -> memref<2640xi32, #tpu.memory_space<vmem>>
    %dma_start3A_52 = tpu.memref_slice %arg3[%multiple_of3A_46] : memref<126000xi32, #tpu.memory_space<hbm>> -> memref<2640xi32, #tpu.memory_space<hbm>>
    tpu.enqueue_dma source(%dma_start3A_52 : memref<2640xi32, #tpu.memory_space<hbm>>) target(%dma_start3A_51 : memref<2640xi32, #tpu.memory_space<vmem>>) target_semaphore(%arg14 : memref<!tpu.dma_semaphore, #tpu.memory_space<semaphore_mem>>)
    %dma_wait3A = arith.constant 0 : i32
    %dma_wait3A_53 = tpu.memref_slice %arg6[%dma_wait3A] : memref<2656xi32, #tpu.memory_space<vmem>> -> memref<2640xi32, #tpu.memory_space<vmem>>
    %dma_wait3A_54 = arith.constant 0 : i32
    %dma_wait3A_55 = tpu.memref_slice %arg3[%dma_wait3A_54] : memref<126000xi32, #tpu.memory_space<hbm>> -> memref<2640xi32, #tpu.memory_space<hbm>>
    %dma_wait3A_56 = arith.constant 0 : i32
    %dma_wait3A_57 = tpu.memref_slice %arg6[%dma_wait3A_56] : memref<2656xi32, #tpu.memory_space<vmem>> -> memref<2640xi32, #tpu.memory_space<vmem>>
    %dma_wait3A_58 = arith.constant 0 : i32
    %dma_wait3A_59 = tpu.memref_slice %arg3[%dma_wait3A_58] : memref<126000xi32, #tpu.memory_space<hbm>> -> memref<2640xi32, #tpu.memory_space<hbm>>
    tpu.wait_dma2 semaphore(%arg14 : memref<!tpu.dma_semaphore, #tpu.memory_space<semaphore_mem>>) src(%dma_wait3A_59 : memref<2640xi32, #tpu.memory_space<hbm>>) dst(%dma_wait3A_57 : memref<2640xi32, #tpu.memory_space<vmem>>)
    %dma_wait3A_60 = arith.constant 0 : i32
    %dma_wait3A_61 = tpu.memref_slice %arg7[%dma_wait3A_60] : memref<2656xi32, #tpu.memory_space<vmem>> -> memref<2640xi32, #tpu.memory_space<vmem>>
    %dma_wait3A_62 = arith.constant 0 : i32
    %dma_wait3A_63 = tpu.memref_slice %arg3[%dma_wait3A_62] : memref<126000xi32, #tpu.memory_space<hbm>> -> memref<2640xi32, #tpu.memory_space<hbm>>
    %dma_wait3A_64 = arith.constant 0 : i32
    %dma_wait3A_65 = tpu.memref_slice %arg7[%dma_wait3A_64] : memref<2656xi32, #tpu.memory_space<vmem>> -> memref<2640xi32, #tpu.memory_space<vmem>>
    %dma_wait3A_66 = arith.constant 0 : i32
    %dma_wait3A_67 = tpu.memref_slice %arg3[%dma_wait3A_66] : memref<126000xi32, #tpu.memory_space<hbm>> -> memref<2640xi32, #tpu.memory_space<hbm>>
    tpu.wait_dma2 semaphore(%arg14 : memref<!tpu.dma_semaphore, #tpu.memory_space<semaphore_mem>>) src(%dma_wait3A_67 : memref<2640xi32, #tpu.memory_space<hbm>>) dst(%dma_wait3A_65 : memref<2640xi32, #tpu.memory_space<vmem>>)
    %dma_wait3A_68 = arith.constant 0 : i32
    %dma_wait3A_69 = tpu.memref_slice %arg8[%dma_wait3A_68] : memref<2656xi32, #tpu.memory_space<vmem>> -> memref<2640xi32, #tpu.memory_space<vmem>>
    %dma_wait3A_70 = arith.constant 0 : i32
    %dma_wait3A_71 = tpu.memref_slice %arg3[%dma_wait3A_70] : memref<126000xi32, #tpu.memory_space<hbm>> -> memref<2640xi32, #tpu.memory_space<hbm>>
    %dma_wait3A_72 = arith.constant 0 : i32
    %dma_wait3A_73 = tpu.memref_slice %arg8[%dma_wait3A_72] : memref<2656xi32, #tpu.memory_space<vmem>> -> memref<2640xi32, #tpu.memory_space<vmem>>
    %dma_wait3A_74 = arith.constant 0 : i32
    %dma_wait3A_75 = tpu.memref_slice %arg3[%dma_wait3A_74] : memref<126000xi32, #tpu.memory_space<hbm>> -> memref<2640xi32, #tpu.memory_space<hbm>>
    tpu.wait_dma2 semaphore(%arg14 : memref<!tpu.dma_semaphore, #tpu.memory_space<semaphore_mem>>) src(%dma_wait3A_75 : memref<2640xi32, #tpu.memory_space<hbm>>) dst(%dma_wait3A_73 : memref<2640xi32, #tpu.memory_space<vmem>>)
    %dma_wait3A_76 = arith.constant 0 : i32
    %dma_wait3A_77 = arith.constant 0 : i32
    %dma_wait3A_78 = tpu.memref_slice %arg2[%dma_wait3A_76, %dma_wait3A_77] : memref<1x10000xf32, #tpu.memory_space<hbm>> -> memref<1x10000xf32, #tpu.memory_space<hbm>>
    %dma_wait3A_79 = tpu.memref_squeeze %dma_wait3A_78 : memref<1x10000xf32, #tpu.memory_space<hbm>> -> memref<10000xf32, #tpu.memory_space<hbm>>
    %dma_wait3A_80 = arith.constant 0 : i32
    %dma_wait3A_81 = tpu.memref_slice %arg2[%dma_wait3A_76, %dma_wait3A_80] : memref<1x10000xf32, #tpu.memory_space<hbm>> -> memref<1x10000xf32, #tpu.memory_space<hbm>>
    %dma_wait3A_82 = tpu.memref_squeeze %dma_wait3A_81 : memref<1x10000xf32, #tpu.memory_space<hbm>> -> memref<10000xf32, #tpu.memory_space<hbm>>
    tpu.wait_dma2 semaphore(%arg13 : memref<!tpu.dma_semaphore, #tpu.memory_space<semaphore_mem>>) src(%dma_wait3A_82 : memref<10000xf32, #tpu.memory_space<hbm>>) dst(%arg5 : memref<10000xf32, #tpu.memory_space<vmem>>)
    %iota3A = tpu.iota {dimensions = array<i32: 0>} : vector<16xi32>
    %broadcast_in_dim3A = arith.constant 0.000000e+00 : f32
    %broadcast_in_dim3A_83 = vector.broadcast %broadcast_in_dim3A : f32 to vector<16xf32>
    %parallel_loop3A = arith.constant 0 : i32
    %parallel_loop3A_84 = arith.constant 164 : i32
    %parallel_loop3A_85 = arith.constant 1 : i32
    %parallel_loop3A_86 = scf.for %parallel_loop3A_166 = %parallel_loop3A to %parallel_loop3A_84 step %parallel_loop3A_85 iter_args(%parallel_loop3A_167 = %broadcast_in_dim3A_83) -> (vector<16xf32>)  : i32 {
      %parallel_loop3A_168 = arith.constant 16 : i32
      %parallel_loop3A_169 = arith.muli %parallel_loop3A_166, %parallel_loop3A_168 : i32
      %parallel_loop3A_170 = arith.addi %sub3A_20, %parallel_loop3A_169 : i32
      %parallel_loop3A_171 = arith.index_cast %parallel_loop3A_170 : i32 to index
      %parallel_loop3A_172 = tpu.vector_load %arg6[%parallel_loop3A_171] {strides = array<i32>} : memref<2656xi32, #tpu.memory_space<vmem>>, vector<16xi32>,
      %parallel_loop3A_173 = arith.constant 1 : i32
      %parallel_loop3A_174 = vector.broadcast %parallel_loop3A_173 : i32 to vector<16xi32>
      %parallel_loop3A_175 = arith.shrui %parallel_loop3A_172, %parallel_loop3A_174 : vector<16xi32>
      %parallel_loop3A_176 = tpu.vector_load_idx %arg5[%parallel_loop3A_175] : memref<10000xf32, #tpu.memory_space<vmem>>[vector<16xi32>], vector<16xf32>,
      %parallel_loop3A_177 = arith.constant 0.000000e+00 : f32
      %parallel_loop3A_178 = vector.broadcast %parallel_loop3A_177 : f32 to vector<16xf32>
      %parallel_loop3A_179 = arith.cmpf olt, %parallel_loop3A_176, %parallel_loop3A_178 : vector<16xf32>
      %parallel_loop3A_180 = arith.constant 1 : i32
      %parallel_loop3A_181 = vector.broadcast %parallel_loop3A_180 : i32 to vector<16xi32>
      %parallel_loop3A_182 = arith.andi %parallel_loop3A_172, %parallel_loop3A_181 : vector<16xi32>
      %parallel_loop3A_183 = arith.constant 1 : i32
      %parallel_loop3A_184 = vector.broadcast %parallel_loop3A_183 : i32 to vector<16xi32>
      %parallel_loop3A_185 = arith.cmpi eq, %parallel_loop3A_182, %parallel_loop3A_184 : vector<16xi32>
      %parallel_loop3A_186 = arith.xori %parallel_loop3A_179, %parallel_loop3A_185 : vector<16xi1>
      %parallel_loop3A_187 = arith.constant dense<true> : vector<16xi1>
      %parallel_loop3A_188 = arith.xori %parallel_loop3A_186, %parallel_loop3A_187 : vector<16xi1>
      %parallel_loop3A_189 = arith.index_cast %parallel_loop3A_170 : i32 to index
      %parallel_loop3A_190 = tpu.vector_load %arg7[%parallel_loop3A_189] {strides = array<i32>} : memref<2656xi32, #tpu.memory_space<vmem>>, vector<16xi32>,
      %parallel_loop3A_191 = arith.constant 1 : i32
      %parallel_loop3A_192 = vector.broadcast %parallel_loop3A_191 : i32 to vector<16xi32>
      %parallel_loop3A_193 = arith.shrui %parallel_loop3A_190, %parallel_loop3A_192 : vector<16xi32>
      %parallel_loop3A_194 = tpu.vector_load_idx %arg5[%parallel_loop3A_193] : memref<10000xf32, #tpu.memory_space<vmem>>[vector<16xi32>], vector<16xf32>,
      %parallel_loop3A_195 = arith.constant 0.000000e+00 : f32
      %parallel_loop3A_196 = vector.broadcast %parallel_loop3A_195 : f32 to vector<16xf32>
      %parallel_loop3A_197 = arith.cmpf olt, %parallel_loop3A_194, %parallel_loop3A_196 : vector<16xf32>
      %parallel_loop3A_198 = arith.constant 1 : i32
      %parallel_loop3A_199 = vector.broadcast %parallel_loop3A_198 : i32 to vector<16xi32>
      %parallel_loop3A_200 = arith.andi %parallel_loop3A_190, %parallel_loop3A_199 : vector<16xi32>
      %parallel_loop3A_201 = arith.constant 1 : i32
      %parallel_loop3A_202 = vector.broadcast %parallel_loop3A_201 : i32 to vector<16xi32>
      %parallel_loop3A_203 = arith.cmpi eq, %parallel_loop3A_200, %parallel_loop3A_202 : vector<16xi32>
      %parallel_loop3A_204 = arith.xori %parallel_loop3A_197, %parallel_loop3A_203 : vector<16xi1>
      %parallel_loop3A_205 = arith.constant dense<true> : vector<16xi1>
      %parallel_loop3A_206 = arith.xori %parallel_loop3A_204, %parallel_loop3A_205 : vector<16xi1>
      %parallel_loop3A_207 = arith.ori %parallel_loop3A_188, %parallel_loop3A_206 : vector<16xi1>
      %parallel_loop3A_208 = arith.index_cast %parallel_loop3A_170 : i32 to index
      %parallel_loop3A_209 = tpu.vector_load %arg8[%parallel_loop3A_208] {strides = array<i32>} : memref<2656xi32, #tpu.memory_space<vmem>>, vector<16xi32>,
      %parallel_loop3A_210 = arith.constant 1 : i32
      %parallel_loop3A_211 = vector.broadcast %parallel_loop3A_210 : i32 to vector<16xi32>
      %parallel_loop3A_212 = arith.shrui %parallel_loop3A_209, %parallel_loop3A_211 : vector<16xi32>
      %parallel_loop3A_213 = tpu.vector_load_idx %arg5[%parallel_loop3A_212] : memref<10000xf32, #tpu.memory_space<vmem>>[vector<16xi32>], vector<16xf32>,
      %parallel_loop3A_214 = arith.constant 0.000000e+00 : f32
      %parallel_loop3A_215 = vector.broadcast %parallel_loop3A_214 : f32 to vector<16xf32>
      %parallel_loop3A_216 = arith.cmpf olt, %parallel_loop3A_213, %parallel_loop3A_215 : vector<16xf32>
      %parallel_loop3A_217 = arith.constant 1 : i32
      %parallel_loop3A_218 = vector.broadcast %parallel_loop3A_217 : i32 to vector<16xi32>
      %parallel_loop3A_219 = arith.andi %parallel_loop3A_209, %parallel_loop3A_218 : vector<16xi32>
      %parallel_loop3A_220 = arith.constant 1 : i32
      %parallel_loop3A_221 = vector.broadcast %parallel_loop3A_220 : i32 to vector<16xi32>
      %parallel_loop3A_222 = arith.cmpi eq, %parallel_loop3A_219, %parallel_loop3A_221 : vector<16xi32>
      %parallel_loop3A_223 = arith.xori %parallel_loop3A_216, %parallel_loop3A_222 : vector<16xi1>
      %parallel_loop3A_224 = arith.constant dense<true> : vector<16xi1>
      %parallel_loop3A_225 = arith.xori %parallel_loop3A_223, %parallel_loop3A_224 : vector<16xi1>
      %parallel_loop3A_226 = arith.ori %parallel_loop3A_207, %parallel_loop3A_225 : vector<16xi1>
      %parallel_loop3A_227 = arith.constant 1.000000e+00 : f32
      %parallel_loop3A_228 = arith.constant -1.000000e+00 : f32
      %parallel_loop3A_229 = vector.broadcast %parallel_loop3A_227 : f32 to vector<16xf32>
      %parallel_loop3A_230 = vector.broadcast %parallel_loop3A_228 : f32 to vector<16xf32>
      %parallel_loop3A_231 = arith.select %parallel_loop3A_226, %parallel_loop3A_229, %parallel_loop3A_230 : vector<16xi1>, vector<16xf32>
      %parallel_loop3A_232 = arith.addf %parallel_loop3A_167, %parallel_loop3A_231 : vector<16xf32>
      scf.yield %parallel_loop3A_232 : vector<16xf32>
    } {sc.loop_unroll_factor = 8 : i64, sc.parallel_access}
    %lt3A = arith.constant 1 : i32
    %lt3A_87 = vector.broadcast %lt3A : i32 to vector<16xi32>
    %lt3A_88 = arith.cmpi slt, %iota3A, %lt3A_87 : vector<16xi32>
    %add3A_89 = arith.constant 2624 : i32
    %add3A_90 = arith.addi %sub3A_20, %add3A_89 : i32
    %get3A = arith.index_cast %add3A_90 : i32 to index
    %get3A_91 = tpu.vector_load %arg6[%get3A] {strides = array<i32>} : memref<2656xi32, #tpu.memory_space<vmem>>, vector<16xi32>,
    %shift_right_logical3A = arith.constant 1 : i32
    %shift_right_logical3A_92 = vector.broadcast %shift_right_logical3A : i32 to vector<16xi32>
    %shift_right_logical3A_93 = arith.shrui %get3A_91, %shift_right_logical3A_92 : vector<16xi32>
    %jit3A_94 = arith.constant 0 : i32
    %broadcast_in_dim3A_95 = vector.broadcast %jit3A_94 : i32 to vector<16xi32>
    %select_n3A_96 = arith.select %lt3A_88, %shift_right_logical3A_93, %broadcast_in_dim3A_95 : vector<16xi1>, vector<16xi32>
    %gather3A = tpu.vector_load_idx %arg5[%select_n3A_96] : memref<10000xf32, #tpu.memory_space<vmem>>[vector<16xi32>], vector<16xf32>,
    %lt3A_97 = arith.constant 0.000000e+00 : f32
    %lt3A_98 = vector.broadcast %lt3A_97 : f32 to vector<16xf32>
    %lt3A_99 = arith.cmpf olt, %gather3A, %lt3A_98 : vector<16xf32>
    %and3A_100 = arith.constant 1 : i32
    %and3A_101 = vector.broadcast %and3A_100 : i32 to vector<16xi32>
    %and3A_102 = arith.andi %get3A_91, %and3A_101 : vector<16xi32>
    %eq3A = arith.constant 1 : i32
    %eq3A_103 = vector.broadcast %eq3A : i32 to vector<16xi32>
    %eq3A_104 = arith.cmpi eq, %and3A_102, %eq3A_103 : vector<16xi32>
    %eq3A_105 = arith.xori %lt3A_99, %eq3A_104 : vector<16xi1>
    %eq3A_106 = arith.constant dense<true> : vector<16xi1>
    %eq3A_107 = arith.xori %eq3A_105, %eq3A_106 : vector<16xi1>
    %get3A_108 = arith.index_cast %add3A_90 : i32 to index
    %get3A_109 = tpu.vector_load %arg7[%get3A_108] {strides = array<i32>} : memref<2656xi32, #tpu.memory_space<vmem>>, vector<16xi32>,
    %shift_right_logical3A_110 = arith.constant 1 : i32
    %shift_right_logical3A_111 = vector.broadcast %shift_right_logical3A_110 : i32 to vector<16xi32>
    %shift_right_logical3A_112 = arith.shrui %get3A_109, %shift_right_logical3A_111 : vector<16xi32>
    %jit3A_113 = arith.constant 0 : i32
    %broadcast_in_dim3A_114 = vector.broadcast %jit3A_113 : i32 to vector<16xi32>
    %select_n3A_115 = arith.select %lt3A_88, %shift_right_logical3A_112, %broadcast_in_dim3A_114 : vector<16xi1>, vector<16xi32>
    %gather3A_116 = tpu.vector_load_idx %arg5[%select_n3A_115] : memref<10000xf32, #tpu.memory_space<vmem>>[vector<16xi32>], vector<16xf32>,
    %lt3A_117 = arith.constant 0.000000e+00 : f32
    %lt3A_118 = vector.broadcast %lt3A_117 : f32 to vector<16xf32>
    %lt3A_119 = arith.cmpf olt, %gather3A_116, %lt3A_118 : vector<16xf32>
    %and3A_120 = arith.constant 1 : i32
    %and3A_121 = vector.broadcast %and3A_120 : i32 to vector<16xi32>
    %and3A_122 = arith.andi %get3A_109, %and3A_121 : vector<16xi32>
    %eq3A_123 = arith.constant 1 : i32
    %eq3A_124 = vector.broadcast %eq3A_123 : i32 to vector<16xi32>
    %eq3A_125 = arith.cmpi eq, %and3A_122, %eq3A_124 : vector<16xi32>
    %eq3A_126 = arith.xori %lt3A_119, %eq3A_125 : vector<16xi1>
    %eq3A_127 = arith.constant dense<true> : vector<16xi1>
    %eq3A_128 = arith.xori %eq3A_126, %eq3A_127 : vector<16xi1>
    %or3A = arith.ori %eq3A_107, %eq3A_128 : vector<16xi1>
    %get3A_129 = arith.index_cast %add3A_90 : i32 to index
    %get3A_130 = tpu.vector_load %arg8[%get3A_129] {strides = array<i32>} : memref<2656xi32, #tpu.memory_space<vmem>>, vector<16xi32>,
    %shift_right_logical3A_131 = arith.constant 1 : i32
    %shift_right_logical3A_132 = vector.broadcast %shift_right_logical3A_131 : i32 to vector<16xi32>
    %shift_right_logical3A_133 = arith.shrui %get3A_130, %shift_right_logical3A_132 : vector<16xi32>
    %jit3A_134 = arith.constant 0 : i32
    %broadcast_in_dim3A_135 = vector.broadcast %jit3A_134 : i32 to vector<16xi32>
    %select_n3A_136 = arith.select %lt3A_88, %shift_right_logical3A_133, %broadcast_in_dim3A_135 : vector<16xi1>, vector<16xi32>
    %gather3A_137 = tpu.vector_load_idx %arg5[%select_n3A_136] : memref<10000xf32, #tpu.memory_space<vmem>>[vector<16xi32>], vector<16xf32>,
    %lt3A_138 = arith.constant 0.000000e+00 : f32
    %lt3A_139 = vector.broadcast %lt3A_138 : f32 to vector<16xf32>
    %lt3A_140 = arith.cmpf olt, %gather3A_137, %lt3A_139 : vector<16xf32>
    %and3A_141 = arith.constant 1 : i32
    %and3A_142 = vector.broadcast %and3A_141 : i32 to vector<16xi32>
    %and3A_143 = arith.andi %get3A_130, %and3A_142 : vector<16xi32>
    %eq3A_144 = arith.constant 1 : i32
    %eq3A_145 = vector.broadcast %eq3A_144 : i32 to vector<16xi32>
    %eq3A_146 = arith.cmpi eq, %and3A_143, %eq3A_145 : vector<16xi32>
    %eq3A_147 = arith.xori %lt3A_140, %eq3A_146 : vector<16xi1>
    %eq3A_148 = arith.constant dense<true> : vector<16xi1>
    %eq3A_149 = arith.xori %eq3A_147, %eq3A_148 : vector<16xi1>
    %or3A_150 = arith.ori %or3A, %eq3A_149 : vector<16xi1>
    %not3A = arith.constant dense<true> : vector<16xi1>
    %not3A_151 = arith.xori %lt3A_88, %not3A : vector<16xi1>
    %or3A_152 = arith.ori %or3A_150, %not3A_151 : vector<16xi1>
    %jit3A_153 = arith.constant 1.000000e+00 : f32
    %jit3A_154 = arith.constant -1.000000e+00 : f32
    %broadcast_in_dim3A_155 = vector.broadcast %jit3A_153 : f32 to vector<16xf32>
    %broadcast_in_dim3A_156 = vector.broadcast %jit3A_154 : f32 to vector<16xf32>
    %select_n3A_157 = arith.select %or3A_152, %broadcast_in_dim3A_155, %broadcast_in_dim3A_156 : vector<16xi1>, vector<16xf32>
    %add3A_158 = arith.addf %parallel_loop3A_86, %select_n3A_157 : vector<16xf32>
    %swap3A = arith.constant 0 : index
    %swap3A_159 = tpu.vector_load %arg9[%swap3A] {strides = array<i32>} : memref<16xf32, #tpu.memory_space<vmem>>, vector<16xf32>,
    tpu.vector_store %arg9[%swap3A], %add3A_158 {strides = array<i32>} : memref<16xf32, #tpu.memory_space<vmem>>, vector<16xf32>,
    "tpu.region"() ({
      %run_scoped3A = tpu.sem_alloc : memref<!tpu.dma_semaphore, #tpu.memory_space<semaphore_mem>>
      %dma_start3A_166 = arith.constant 0 : i32
      %dma_start3A_167 = tpu.memref_slice %arg10[%arg1, %dma_start3A_166] : memref<16x16xf32, #tpu.memory_space<vmem_shared>> -> memref<1x16xf32, #tpu.memory_space<vmem_shared>>
      %dma_start3A_168 = tpu.memref_squeeze %dma_start3A_167 : memref<1x16xf32, #tpu.memory_space<vmem_shared>> -> memref<16xf32, #tpu.memory_space<vmem_shared>>
      %dma_start3A_169 = arith.constant 0 : i32
      %dma_start3A_170 = tpu.memref_slice %arg10[%arg1, %dma_start3A_169] : memref<16x16xf32, #tpu.memory_space<vmem_shared>> -> memref<1x16xf32, #tpu.memory_space<vmem_shared>>
      %dma_start3A_171 = tpu.memref_squeeze %dma_start3A_170 : memref<1x16xf32, #tpu.memory_space<vmem_shared>> -> memref<16xf32, #tpu.memory_space<vmem_shared>>
      tpu.enqueue_dma source(%arg9 : memref<16xf32, #tpu.memory_space<vmem>>) target(%dma_start3A_171 : memref<16xf32, #tpu.memory_space<vmem_shared>>) target_semaphore(%run_scoped3A : memref<!tpu.dma_semaphore, #tpu.memory_space<semaphore_mem>>)
      %dma_wait3A_172 = arith.constant 0 : i32
      %dma_wait3A_173 = tpu.memref_slice %arg10[%arg1, %dma_wait3A_172] : memref<16x16xf32, #tpu.memory_space<vmem_shared>> -> memref<1x16xf32, #tpu.memory_space<vmem_shared>>
      %dma_wait3A_174 = tpu.memref_squeeze %dma_wait3A_173 : memref<1x16xf32, #tpu.memory_space<vmem_shared>> -> memref<16xf32, #tpu.memory_space<vmem_shared>>
      %dma_wait3A_175 = arith.constant 0 : i32
      %dma_wait3A_176 = tpu.memref_slice %arg10[%arg1, %dma_wait3A_175] : memref<16x16xf32, #tpu.memory_space<vmem_shared>> -> memref<1x16xf32, #tpu.memory_space<vmem_shared>>
      %dma_wait3A_177 = tpu.memref_squeeze %dma_wait3A_176 : memref<1x16xf32, #tpu.memory_space<vmem_shared>> -> memref<16xf32, #tpu.memory_space<vmem_shared>>
      tpu.wait_dma2 semaphore(%run_scoped3A : memref<!tpu.dma_semaphore, #tpu.memory_space<semaphore_mem>>) src(%arg9 : memref<16xf32, #tpu.memory_space<vmem>>) dst(%dma_wait3A_177 : memref<16xf32, #tpu.memory_space<vmem_shared>>)
      tpu.yield
    }) : () -> ()
    %barrier3A = arith.constant 0 : index
    tpu.barrier barrier_id(%barrier3A)
    %eq3A_160 = arith.constant 0 : i32
    %eq3A_161 = arith.cmpi eq, %arg0, %eq3A_160 : i32
    %eq3A_162 = arith.constant 0 : i32
    %eq3A_163 = arith.cmpi eq, %arg1, %eq3A_162 : i32
    %and3A_164 = arith.andi %eq3A_161, %eq3A_163 : i1
    %convert_element_type3A = arith.extui %and3A_164 : i1 to i32
    %cond3A = arith.constant 0 : i32
    %cond3A_165 = arith.cmpi ne, %convert_element_type3A, %cond3A : i32
    scf.if %cond3A_165 {
      "tpu.region"() ({
        %run_scoped3A = tpu.sem_alloc : memref<!tpu.dma_semaphore, #tpu.memory_space<semaphore_mem>>
        tpu.enqueue_dma source(%arg10 : memref<16x16xf32, #tpu.memory_space<vmem_shared>>) target(%arg11 : memref<16x16xf32, #tpu.memory_space<vmem>>) target_semaphore(%run_scoped3A : memref<!tpu.dma_semaphore, #tpu.memory_space<semaphore_mem>>)
        tpu.wait_dma2 semaphore(%run_scoped3A : memref<!tpu.dma_semaphore, #tpu.memory_space<semaphore_mem>>) src(%arg10 : memref<16x16xf32, #tpu.memory_space<vmem_shared>>) dst(%arg11 : memref<16x16xf32, #tpu.memory_space<vmem>>)
        tpu.yield
      }) : () -> ()
      %get3A_166 = arith.constant 0 : i32
      %get3A_167 = arith.index_cast %get3A_166 : i32 to index
      %get3A_168 = arith.constant 0 : index
      %get3A_169 = tpu.vector_load %arg11[%get3A_167, %get3A_168] {strides = array<i32>} : memref<16x16xf32, #tpu.memory_space<vmem>>, vector<16xf32>,
      %get3A_170 = arith.constant 1 : i32
      %get3A_171 = arith.index_cast %get3A_170 : i32 to index
      %get3A_172 = arith.constant 0 : index
      %get3A_173 = tpu.vector_load %arg11[%get3A_171, %get3A_172] {strides = array<i32>} : memref<16x16xf32, #tpu.memory_space<vmem>>, vector<16xf32>,
      %add3A_174 = arith.addf %get3A_169, %get3A_173 : vector<16xf32>
      %get3A_175 = arith.constant 2 : i32
      %get3A_176 = arith.index_cast %get3A_175 : i32 to index
      %get3A_177 = arith.constant 0 : index
      %get3A_178 = tpu.vector_load %arg11[%get3A_176, %get3A_177] {strides = array<i32>} : memref<16x16xf32, #tpu.memory_space<vmem>>, vector<16xf32>,
      %add3A_179 = arith.addf %add3A_174, %get3A_178 : vector<16xf32>
      %get3A_180 = arith.constant 3 : i32
      %get3A_181 = arith.index_cast %get3A_180 : i32 to index
      %get3A_182 = arith.constant 0 : index
      %get3A_183 = tpu.vector_load %arg11[%get3A_181, %get3A_182] {strides = array<i32>} : memref<16x16xf32, #tpu.memory_space<vmem>>, vector<16xf32>,
      %add3A_184 = arith.addf %add3A_179, %get3A_183 : vector<16xf32>
      %get3A_185 = arith.constant 4 : i32
      %get3A_186 = arith.index_cast %get3A_185 : i32 to index
      %get3A_187 = arith.constant 0 : index
      %get3A_188 = tpu.vector_load %arg11[%get3A_186, %get3A_187] {strides = array<i32>} : memref<16x16xf32, #tpu.memory_space<vmem>>, vector<16xf32>,
      %add3A_189 = arith.addf %add3A_184, %get3A_188 : vector<16xf32>
      %get3A_190 = arith.constant 5 : i32
      %get3A_191 = arith.index_cast %get3A_190 : i32 to index
      %get3A_192 = arith.constant 0 : index
      %get3A_193 = tpu.vector_load %arg11[%get3A_191, %get3A_192] {strides = array<i32>} : memref<16x16xf32, #tpu.memory_space<vmem>>, vector<16xf32>,
      %add3A_194 = arith.addf %add3A_189, %get3A_193 : vector<16xf32>
      %get3A_195 = arith.constant 6 : i32
      %get3A_196 = arith.index_cast %get3A_195 : i32 to index
      %get3A_197 = arith.constant 0 : index
      %get3A_198 = tpu.vector_load %arg11[%get3A_196, %get3A_197] {strides = array<i32>} : memref<16x16xf32, #tpu.memory_space<vmem>>, vector<16xf32>,
      %add3A_199 = arith.addf %add3A_194, %get3A_198 : vector<16xf32>
      %get3A_200 = arith.constant 7 : i32
      %get3A_201 = arith.index_cast %get3A_200 : i32 to index
      %get3A_202 = arith.constant 0 : index
      %get3A_203 = tpu.vector_load %arg11[%get3A_201, %get3A_202] {strides = array<i32>} : memref<16x16xf32, #tpu.memory_space<vmem>>, vector<16xf32>,
      %add3A_204 = arith.addf %add3A_199, %get3A_203 : vector<16xf32>
      %get3A_205 = arith.constant 8 : i32
      %get3A_206 = arith.index_cast %get3A_205 : i32 to index
      %get3A_207 = arith.constant 0 : index
      %get3A_208 = tpu.vector_load %arg11[%get3A_206, %get3A_207] {strides = array<i32>} : memref<16x16xf32, #tpu.memory_space<vmem>>, vector<16xf32>,
      %add3A_209 = arith.addf %add3A_204, %get3A_208 : vector<16xf32>
      %get3A_210 = arith.constant 9 : i32
      %get3A_211 = arith.index_cast %get3A_210 : i32 to index
      %get3A_212 = arith.constant 0 : index
      %get3A_213 = tpu.vector_load %arg11[%get3A_211, %get3A_212] {strides = array<i32>} : memref<16x16xf32, #tpu.memory_space<vmem>>, vector<16xf32>,
      %add3A_214 = arith.addf %add3A_209, %get3A_213 : vector<16xf32>
      %get3A_215 = arith.constant 10 : i32
      %get3A_216 = arith.index_cast %get3A_215 : i32 to index
      %get3A_217 = arith.constant 0 : index
      %get3A_218 = tpu.vector_load %arg11[%get3A_216, %get3A_217] {strides = array<i32>} : memref<16x16xf32, #tpu.memory_space<vmem>>, vector<16xf32>,
      %add3A_219 = arith.addf %add3A_214, %get3A_218 : vector<16xf32>
      %get3A_220 = arith.constant 11 : i32
      %get3A_221 = arith.index_cast %get3A_220 : i32 to index
      %get3A_222 = arith.constant 0 : index
      %get3A_223 = tpu.vector_load %arg11[%get3A_221, %get3A_222] {strides = array<i32>} : memref<16x16xf32, #tpu.memory_space<vmem>>, vector<16xf32>,
      %add3A_224 = arith.addf %add3A_219, %get3A_223 : vector<16xf32>
      %get3A_225 = arith.constant 12 : i32
      %get3A_226 = arith.index_cast %get3A_225 : i32 to index
      %get3A_227 = arith.constant 0 : index
      %get3A_228 = tpu.vector_load %arg11[%get3A_226, %get3A_227] {strides = array<i32>} : memref<16x16xf32, #tpu.memory_space<vmem>>, vector<16xf32>,
      %add3A_229 = arith.addf %add3A_224, %get3A_228 : vector<16xf32>
      %get3A_230 = arith.constant 13 : i32
      %get3A_231 = arith.index_cast %get3A_230 : i32 to index
      %get3A_232 = arith.constant 0 : index
      %get3A_233 = tpu.vector_load %arg11[%get3A_231, %get3A_232] {strides = array<i32>} : memref<16x16xf32, #tpu.memory_space<vmem>>, vector<16xf32>,
      %add3A_234 = arith.addf %add3A_229, %get3A_233 : vector<16xf32>
      %get3A_235 = arith.constant 14 : i32
      %get3A_236 = arith.index_cast %get3A_235 : i32 to index
      %get3A_237 = arith.constant 0 : index
      %get3A_238 = tpu.vector_load %arg11[%get3A_236, %get3A_237] {strides = array<i32>} : memref<16x16xf32, #tpu.memory_space<vmem>>, vector<16xf32>,
      %add3A_239 = arith.addf %add3A_234, %get3A_238 : vector<16xf32>
      %get3A_240 = arith.constant 15 : i32
      %get3A_241 = arith.index_cast %get3A_240 : i32 to index
      %get3A_242 = arith.constant 0 : index
      %get3A_243 = tpu.vector_load %arg11[%get3A_241, %get3A_242] {strides = array<i32>} : memref<16x16xf32, #tpu.memory_space<vmem>>, vector<16xf32>,
      %add3A_244 = arith.addf %add3A_239, %get3A_243 : vector<16xf32>
      %reduce_sum3A = arith.constant true
      %reduce_sum3A_245 = vector.broadcast %reduce_sum3A : i1 to vector<16xi1>
      %reduce_sum3A_246 = tpu.scan <sum>, %add3A_244 masked %reduce_sum3A_245 : vector<16xf32>, vector<16xi1> -> vector<16xf32>
      %reduce_sum3A_247 = vector.extract %reduce_sum3A_246[15] : f32 from vector<16xf32>
      %sub3A_248 = arith.constant 4.223900e+04 : f32
      %sub3A_249 = arith.subf %reduce_sum3A_247, %sub3A_248 : f32
      %sign3A_250 = arith.bitcast %sub3A_249 : f32 to i32
      %sign3A_251 = arith.constant -2147483648 : i32
      %sign3A_252 = arith.andi %sign3A_250, %sign3A_251 : i32
      %sign3A_253 = arith.constant 1065353216 : i32
      %sign3A_254 = arith.ori %sign3A_253, %sign3A_252 : i32
      %sign3A_255 = arith.bitcast %sign3A_254 : i32 to f32
      %sign3A_256 = math.absf %sub3A_249 : f32
      %sign3A_257 = arith.constant 0.000000e+00 : f32
      %sign3A_258 = arith.cmpf ogt, %sign3A_256, %sign3A_257 : f32
      %sign3A_259 = arith.select %sign3A_258, %sign3A_255, %sub3A_249 : f32
      %broadcast_in_dim3A_260 = vector.broadcast %sign3A_259 : f32 to vector<16xf32>
      %swap3A_261 = arith.constant 0 : index
      %swap3A_262 = tpu.vector_load %arg12[%swap3A_261] {strides = array<i32>} : memref<128xf32, #tpu.memory_space<vmem>>, vector<16xf32>,
      tpu.vector_store %arg12[%swap3A_261], %broadcast_in_dim3A_260 {strides = array<i32>} : memref<128xf32, #tpu.memory_space<vmem>>, vector<16xf32>,
      %swap3A_263 = arith.constant 16 : index
      %swap3A_264 = tpu.vector_load %arg12[%swap3A_263] {strides = array<i32>} : memref<128xf32, #tpu.memory_space<vmem>>, vector<16xf32>,
      tpu.vector_store %arg12[%swap3A_263], %broadcast_in_dim3A_260 {strides = array<i32>} : memref<128xf32, #tpu.memory_space<vmem>>, vector<16xf32>,
      %swap3A_265 = arith.constant 32 : index
      %swap3A_266 = tpu.vector_load %arg12[%swap3A_265] {strides = array<i32>} : memref<128xf32, #tpu.memory_space<vmem>>, vector<16xf32>,
      tpu.vector_store %arg12[%swap3A_265], %broadcast_in_dim3A_260 {strides = array<i32>} : memref<128xf32, #tpu.memory_space<vmem>>, vector<16xf32>,
      %swap3A_267 = arith.constant 48 : index
      %swap3A_268 = tpu.vector_load %arg12[%swap3A_267] {strides = array<i32>} : memref<128xf32, #tpu.memory_space<vmem>>, vector<16xf32>,
      tpu.vector_store %arg12[%swap3A_267], %broadcast_in_dim3A_260 {strides = array<i32>} : memref<128xf32, #tpu.memory_space<vmem>>, vector<16xf32>,
      %swap3A_269 = arith.constant 64 : index
      %swap3A_270 = tpu.vector_load %arg12[%swap3A_269] {strides = array<i32>} : memref<128xf32, #tpu.memory_space<vmem>>, vector<16xf32>,
      tpu.vector_store %arg12[%swap3A_269], %broadcast_in_dim3A_260 {strides = array<i32>} : memref<128xf32, #tpu.memory_space<vmem>>, vector<16xf32>,
      %swap3A_271 = arith.constant 80 : index
      %swap3A_272 = tpu.vector_load %arg12[%swap3A_271] {strides = array<i32>} : memref<128xf32, #tpu.memory_space<vmem>>, vector<16xf32>,
      tpu.vector_store %arg12[%swap3A_271], %broadcast_in_dim3A_260 {strides = array<i32>} : memref<128xf32, #tpu.memory_space<vmem>>, vector<16xf32>,
      %swap3A_273 = arith.constant 96 : index
      %swap3A_274 = tpu.vector_load %arg12[%swap3A_273] {strides = array<i32>} : memref<128xf32, #tpu.memory_space<vmem>>, vector<16xf32>,
      tpu.vector_store %arg12[%swap3A_273], %broadcast_in_dim3A_260 {strides = array<i32>} : memref<128xf32, #tpu.memory_space<vmem>>, vector<16xf32>,
      %swap3A_275 = arith.constant 112 : index
      %swap3A_276 = tpu.vector_load %arg12[%swap3A_275] {strides = array<i32>} : memref<128xf32, #tpu.memory_space<vmem>>, vector<16xf32>,
      tpu.vector_store %arg12[%swap3A_275], %broadcast_in_dim3A_260 {strides = array<i32>} : memref<128xf32, #tpu.memory_space<vmem>>, vector<16xf32>,
      "tpu.region"() ({
        %run_scoped3A = tpu.sem_alloc : memref<!tpu.dma_semaphore, #tpu.memory_space<semaphore_mem>>
        tpu.enqueue_dma source(%arg12 : memref<128xf32, #tpu.memory_space<vmem>>) target(%arg4 : memref<128xf32, #tpu.memory_space<hbm>>) target_semaphore(%run_scoped3A : memref<!tpu.dma_semaphore, #tpu.memory_space<semaphore_mem>>)
        tpu.wait_dma2 semaphore(%run_scoped3A : memref<!tpu.dma_semaphore, #tpu.memory_space<semaphore_mem>>) src(%arg12 : memref<128xf32, #tpu.memory_space<vmem>>) dst(%arg4 : memref<128xf32, #tpu.memory_space<hbm>>)
        tpu.yield
      }) : () -> ()
    } else {
    }
    return
  }
}

</mosaic_0001>

<sc_bundles>
// kernel: kernel.3.cloned.1.call-start
scs
__scs_entry_jumppad:
0x0: {  	(pc) =	sbr.rel $0x88, $3  }
0x1: {  	(tag) =	ssettag $0x0;
	lr =	simm.s32 $0x1  }
0x2: {  	[smem:$0x3F9E] =	sst lr;
	_ =	strace $0xD0000000  }
0x3: {  	_ = 	snop  }
0x4: {  	_ = 	snop  }
0x5: {  	_ = 	snop  }
0x6: {  	_ = 	snop  }
0x7: {  	_ = 	snop  }
__scs_overlays_trampoline_lowered:
0x8: {  	[smem:$0x3FAD] =	sst s0  }
0x9: {  	[smem:$0x3FAE] =	sst s1  }
0xa: {  	[smem:$0x3FAF] =	sst s2  }
0xb: {  	[smem:$0x3FB0] =	sst s3  }
0xc: {  	[smem:$0x3FB1] =	sst s4  }
0xd: {  	[smem:$0x3FB2] =	sst s5  }
0xe: {  	[smem:$0x3FB3] =	sst s6  }
0xf: {  	[smem:$0x3FB4] =	sst s7  }
0x10: {  	[smem:$0x3FB5] =	sst s8  }
0x11: {  	[smem:$0x3FB6] =	sst s9;
	s0 =	simm.s32 @!p0 $0x0  }
0x12: {  	s1 =	sld [smem:$0x3F9C];
	s0 =	simm.s32 @p0 $0x1  }
0x13: {  	[smem:$0x3FB7] =	sst s0;
	s0 =	simm.s32 @!p1 $0x0  }
0x14: {  	s2 =	sld [smem:$0x3F9B];
	s0 =	simm.s32 @p1 $0x1  }
0x15: {  	[smem:$0x3FB8] =	sst s0;
	s0 =	simm.s32 @!p2 $0x0  }
0x16: {  	s3 =	sld [smem:$0x3FDB];
	s0 =	simm.s32 @p2 $0x1  }
0x17: {  	s4 =	simm.s32 $0x1BF5;
	[smem:$0x3FBA] =	sst s0  }
0x18: {  	s0 =	sld [smem:$0x3F9D];
	_ =	swait.ge [sflag:s4], $0x0  }
0x19: {  	s7 =	sld [smem:$0x3F9E]  }
0x1a: {  	s8 =	sadd.s32 $0xFFFFE003, lr  }
0x1b: {  	s9 =	sadd.s32 $0xFFFFFEF7, lr;
	s5 =	simm.s32 $0xFFFFFFFF;
	p2 =	slt.u32 s8, $0xFFFFF086  }
0x1c: {  	p1 =	slt.u32 s9, $0xF7A;
	s5 =	simm.s32 @!p2 $0x0  }
0x1d: {  	s5 =	simm.s32 @p1 $0x1;
	p0 =	seq.s32 s7, s2  }
0x1e: {  	s7 =	smul.u32 @!p0 $0xF7A, s2;
	p2 =	seq.s32 @!p0 s5, $0x0  }
0x1f: {  	s9 =	smul.u32 $0xF7A, s1;
	s8 =	simm.s32 @!p0 $0x1BF5;
	p2 =	por !p2, p0  }
0x20: {  	[sflag:s8] =	ssyncset.s32 @!p0 $0xFFFFF086;
	s6 =	sadd.s32 @!p0 s3, s7;
	s7 =	simm.s32 @!p0 $0x108  }
0x21: {  	s3 =	sadd.s32 s3, s9;
	s6 =	sadd.s32 @!p0 $0x88, s6;
	s7 =	simm.s32 @p2 $0x1082  }
0x22: {  	[simem:s7], [sflag:s8] =	dma.local @!p0 [hbm:s6], $0xF7A  }
0x23: {  	s9 =	sor.u32 $0xD0000000, s2;
	s6 =	simm.s32 $0x108;
	_ =	swait.ge @!p0 [sflag:s8], $0x0  }
0x24: {  	s3 =	sadd.s32 $0x88, s3;
	s6 =	simm.s32 @!p1 $0x1082;
	[sflag:s4] =	ssyncset.s32 $0xFFFFF086  }
0x25: {  	[simem:s6], [sflag:s4] =	dma.local [hbm:s3], $0xF7A  }
0x26: {  	[smem:$0x3F9E] =	sst s1;
	(tag) =	ssettag s2;
	_ =	strace s9  }
0x27: {  	s1 =	sld [smem:$0x3FAE]  }
0x28: {  	s2 =	sld [smem:$0x3FAF]  }
0x29: {  	s4 =	sld [smem:$0x3FB1]  }
0x2a: {  	p0 =	seq.s32 s5, $0x0;
	s5 =	sld [smem:$0x3FB2]  }
0x2b: {  	s6 =	sld [smem:$0x3FB3]  }
0x2c: {  	s7 =	sld [smem:$0x3FB4]  }
0x2d: {  	s3 =	simm.s32 $0x108;
	s8 =	sld [smem:$0x3FB5]  }
0x2e: {  	s3 =	simm.s32 @!p0 $0x1082;
	s9 =	sld [smem:$0x3FB6]  }
0x2f: {  	lr =	sadd.s32 s0, s3;
	s0 =	sld [smem:$0x3FAD]  }
0x30: {  	s3 =	sld [smem:$0x3FB0]  }
0x31: {  	[smem:$0x3FB9] =	sst s10  }
0x32: {  	s10 =	sld [smem:$0x3FB7];
	_ =	sdelay $0x3  }
0x33: {  	p0 =	seq.s32 s10, $0x1;
	s10 =	sld [smem:$0x3FB9];
	_ =	sdelay $0x3  }
0x34: {  	[smem:$0x3FB9] =	sst s10  }
0x35: {  	s10 =	sld [smem:$0x3FB8];
	_ =	sdelay $0x3  }
0x36: {  	p1 =	seq.s32 s10, $0x1;
	s10 =	sld [smem:$0x3FB9];
	_ =	sdelay $0x3  }
0x37: {  	[smem:$0x3FB9] =	sst s10  }
0x38: {  	s10 =	sld [smem:$0x3FBA]  }
0x39: {  	_ = 	snop;
	(pc) =	sbr.ind lr, $3  }
0x3a: {  	_ = 	snop  }
0x3b: {  	_ = 	snop  }
0x3c: {  	p2 =	seq.s32 s10, $0x1;
	s10 =	sld [smem:$0x3FB9]  }
0x3d: {  	_ =	shalt  }
0x3e: {  	_ =	shalt  }
0x3f: {  	_ =	shalt  }
0x40: {  	_ =	shalt  }
0x41: {  	_ =	shalt  }
0x42: {  	_ =	shalt  }
0x43: {  	_ =	shalt  }
0x44: {  	_ =	shalt  }
0x45: {  	_ =	shalt  }
0x46: {  	_ =	shalt  }
0x47: {  	_ =	shalt  }
0x48: {  	_ =	shalt  }
0x49: {  	_ =	shalt  }
0x4a: {  	_ =	shalt  }
0x4b: {  	_ =	shalt  }
0x4c: {  	_ =	shalt  }
0x4d: {  	_ =	shalt  }
0x4e: {  	_ =	shalt  }
0x4f: {  	_ =	shalt  }
0x50: {  	_ =	shalt  }
0x51: {  	_ =	shalt  }
0x52: {  	_ =	shalt  }
0x53: {  	_ =	shalt  }
0x54: {  	_ =	shalt  }
0x55: {  	_ =	shalt  }
0x56: {  	_ =	shalt  }
0x57: {  	_ =	shalt  }
0x58: {  	_ =	shalt  }
0x59: {  	_ =	shalt  }
0x5a: {  	_ =	shalt  }
0x5b: {  	_ =	shalt  }
0x5c: {  	_ =	shalt  }
0x5d: {  	_ =	shalt  }
0x5e: {  	_ =	shalt  }
0x5f: {  	_ =	shalt  }
0x60: {  	_ =	shalt  }
0x61: {  	_ =	shalt  }
0x62: {  	_ =	shalt  }
0x63: {  	_ =	shalt  }
0x64: {  	_ =	shalt  }
0x65: {  	_ =	shalt  }
0x66: {  	_ =	shalt  }
0x67: {  	_ =	shalt  }
0x68: {  	_ =	shalt  }
0x69: {  	_ =	shalt  }
0x6a: {  	_ =	shalt  }
0x6b: {  	_ =	shalt  }
0x6c: {  	_ =	shalt  }
0x6d: {  	_ =	shalt  }
0x6e: {  	_ =	shalt  }
0x6f: {  	_ =	shalt  }
0x70: {  	_ =	shalt  }
0x71: {  	_ =	shalt  }
0x72: {  	_ =	shalt  }
0x73: {  	_ =	shalt  }
0x74: {  	_ =	shalt  }
0x75: {  	_ =	shalt  }
0x76: {  	_ =	shalt  }
0x77: {  	_ =	shalt  }
0x78: {  	_ =	shalt  }
0x79: {  	_ =	shalt  }
0x7a: {  	_ =	shalt  }
0x7b: {  	_ =	shalt  }
0x7c: {  	_ =	shalt  }
0x7d: {  	_ =	shalt  }
0x7e: {  	_ =	shalt  }
0x7f: {  	_ =	shalt  }
0x80: {  	_ =	shalt  }
0x81: {  	_ =	shalt  }
0x82: {  	_ =	shalt  }
0x83: {  	_ =	shalt  }
0x84: {  	_ =	shalt  }
0x85: {  	_ =	shalt  }
0x86: {  	_ =	shalt  }
0x87: {  	_ =	shalt  }
.Lfunc_end0:
.L_simem_size_0:
called_computation_lowered:
.L_overlay_start_0:
0x88: {  	s2 =	sld [smem:$0x3FD9]  }
0x89: {  	s3 =	sld [smem:$0x3FFE];
	_ =	sdelay $0x1  }
0x8a: {  	s1 =	srdreg.scid  }
0x8b: {  	s0 =	sand.u32 $0x1, s1  }
0x8c: {  	s17 =	sshll.u32 s0, $0xA;
	s2 =	sadd.s32 s3, s2  }
0x8d: {  	s2 =	sadd.s32 s2, s17  }
0x8e: {  	[smem:$0x3FC5] =	sst s2  }
0x8f: {  	_ = 	snop  }
0x90: {  	s2 =	sld [smem:$0x3FC9]  }
0x91: {  	s18 =	sld [smem:$0x3FD0];
	(tm) =	ssettm $0x1  }
0x92: {  	s4 =	sld [smem:$0x3FFB];
	_ =	sdelay $0x3  }
0x93: {  	_ =	strace s4  }
0x94: {  	s4 =	sld [smem:$0x3FFC];
	_ =	sdelay $0x3  }
0x95: {  	_ =	strace s4  }
0x96: {  	s4 =	sld [smem:$0x3FFD];
	_ =	sdelay $0x3  }
0x97: {  	_ =	strace s4  }
0x98: {  	_ =	strace $0x8FFFFFFF  }
0x99: {  	s19 =	sld [smem:$0x3FDB];
	_ =	sdelay $0x1  }
0x9a: {  	s5 =	simm.s32 $_scs_section_size  }
0x9b: {  	s6 =	simm.s32 $_size__tile_overlayer_lowered;
	s7 =	simm.s32 $_tile_overlayer_lowered  }
0x9c: {  	s22 =	simm.s32 $0x1BFF;
	s21 =	sshll.u32 s7, $0x1;
	s4 =	sadd.s32 s5, s19  }
0x9d: {  	s8 =	simm.s32 $0x0;
	s20 =	sshll.u32 s6, $0x1;
	s6 =	sadd.s32 s21, s4  }
0x9e: {  	[timem:s8], [sflag:s22] =	dma.local [hbm:s6], s20  }
0x9f: {  	_ =	swait.ge [sflag:s22], s20  }
0xa0: {  	s5 =	ssub.s32 $0x0, s20;
	[sflag:s22] =	ssyncset.done $0x0  }
0xa1: {  	[sflag:s22] =	ssyncadd.s32 s5;
	_ =	sdelay $0x1  }
0xa2: {  	s23 =	simm.s32 $0x1B8B  }
0xa3: {  	_ =	swait.ge [sflag:s23], $0x1  }
0xa4: {  	[sflag:s23] =	ssyncset.done $0x0  }
0xa5: {  	s25 =	simm.s32 $0x1B8E;
	s24 =	sld [smem:$0x3FFE];
	[sflag:s23] =	ssyncadd.s32 $0xFFFFFFFF  }
0xa6: {  	s26 =	simm.s32 $execute0_lowered;
	[smem:$0x3FD2] =	sst s25  }
0xa7: {  	s6 =	sshll.u32 s26, $0x1;
	_ =	strace $0x80000046;
	[dreg:$0x1] =	wrdreg $0xFFFFFFFF  }
0xa8: {  	s28 =	simm.s32 $_size_execute0_lowered;
	s4 =	sadd.s32 s4, s6;
	[dreg:$0x0] =	wrdreg $0x0  }
0xa9: {  	s6 =	sshll.u32 s28, $0x1;
	[dreg:$0x2] =	wrdreg s4  }
0xaa: {  	[dreg:$0x3] =	wrdreg s6  }
0xab: {  	[dreg:$0x4] =	wrdreg $0xC0  }
0xac: {  	_ =	task [dreg:s8], $0x5FFFF  }
0xad: {  	[dreg:$0x1] =	wrdreg $0xFFFFFFFF  }
0xae: {  	[dreg:$0x0] =	wrdreg $0x60  }
0xaf: {  	[dreg:$0x2] =	wrdreg s2  }
0xb0: {  	[dreg:$0x3] =	wrdreg s24  }
0xb1: {  	[dreg:$0x4] =	wrdreg s18  }
0xb2: {  	[dreg:$0x5] =	wrdreg $0x47800  }
0xb3: {  	[dreg:$0x6] =	wrdreg $0x9  }
0xb4: {  	_ =	task.clear_ibuf [dreg:s8], $0x7FFFF;
	_ =	strace $0x90000046  }
0xb5: {  	s29 =	simm.s32 $0x9;
	_ =	strace $0x80000048  }
0xb6: {  	_ =	swait.ge [sflag:s29], $0x1  }
0xb7: {  	[sflag:s29] =	ssyncadd.s32 $0xFFFFFFFF  }
0xb8: {  	_ =	strace $0x90000048  }
0xb9: {  	_ =	sfence  }
0xba: {  	s30 =	sld [smem:$0x0];
	_ =	sdelay $0x2  }
0xbb: {  	s31 =	sshll.u32 s1, $0xD;
	s1 =	sshrl.u32 s1, $0x2  }
0xbc: {  	s3 =	sand.u32 $0x4000, s31;
	s1 =	sadd.s32 s1, s30  }
0xbd: {  	s0 =	sor.u32 s3, s0;
	s1 =	sshll.u32 s1, $0x11  }
0xbe: {  	s0 =	sor.u32 s1, s0  }
0xbf: {  	s0 =	sadd.s32 $0x8F2B, s0  }
0xc0: {  	[sflag:s0] =	ssyncadd.remote.s32 $0x1  }
0xc1: {  	_ =	sfence.sel $0xFFFF  }
0xc2: {  	[dreg:$0x0] =	wrdreg $0xFFFFFFFF;
	(pc) =	sbr.abs _section_cstart, $3  }
0xc3: {  	[dreg:$0x1] =	wrdreg $0xFFFFFFFF  }
0xc4: {  	_ =	task.clear_ibuf [dreg:s8], $0x2FFFF;
	_ =	strace $0x9FFFFFFF  }
0xc5: {  	(tm) =	ssettm $0x7FFFFFFF  }
tec
execute0_lowered:
.L_overlay_start_1:
0x0: {  	(tag) =	ssettag $0x1  }
0x1: {  	s2 =	rddreg [dreg:$0x0]  }
0x2: {  	s6 =	rddreg [dreg:$0x1]  }
0x3: {  	s3 =	rddreg [dreg:$0x2]  }
0x4: {  	s0 =	stileid.u32;
	s4 =	rddreg [dreg:$0x3]  }
0x5: {  	s1 =	rddreg [dreg:$0x4];
	s9 =	srdreg.scid  }
0x6: {  	s5 =	simm.s32 $0x0;
	s16 =	simm.s32 $0x3200;
	s17 =	simm.s32 $0x3C80  }
0x7: {  	s18 =	simm.s32 $0x2;
	s19 =	simm.s32 $0x1;
	s21 =	simm.s32 $0x3  }
0x8: {  	s22 =	simm.s32 $0x4790;
	s31 =	simm.f32 $1.000000000e+00;
	s7 =	smul.u32 $0xA41, s0  }
0x9: {  	s11 =	sand.u32 $0x1, s9;
	[smem:$0x7FF] =	sst s5;
	s13 =	smul.u32 $0x2904, s0  }
0xa: {  	s15 =	sshll.u32 s0, $0x7;
	s10 =	ssub.s32 $0x2, s11;
	_ =	strace $0x80000047  }
0xb: {  	s20 =	sor.u32 s0, s11;
	s8 =	sand.u32 $0xFFF8, s7;
	s28 =	sshrl.u32 s10, $0x1  }
0xc: {  	p0 =	sne.s32 s20, $0x0;
	s20 =	simm.s32 $0x4700;
	s8 =	smin.u32 s8, $0x99C0  }
0xd: {  	s12 =	ssub.s32 s10, s28;
	s10 =	sadd.s32 s15, s4;
	s14 =	sshll.u32 s8, $0x2  }
0xe: {  	s15 =	simm.s32 $0x2780;
	s26 =	sshrl.u32 s8, $0x3;
	s13 =	ssub.s32 s13, s14  }
0xf: {  	s29 =	ssub.s32 s7, s8;
	s14 =	sadd.s32 $0x100, s13;
	s13 =	sadd.s32 $0x2800, s13  }
0x10: {  	vm0 =	vmmov $0x1;
	v1 =	vimm.s32 $0x0;
	s11 =	smax.u32 s12, $0x1;
	s9 =	sadd.s32 s26, s6;
	s30 =	sshra.s32 s13, $0x2  }
.Ltmp0:
0x11: {  	v1 =	vsel vm0, $0xFFFFFFFF, v1;
	s6 =	sadd.s32 $0x400, s9;
	s23 =	sadd.s32 $0x2780, s30;
	(pc) =	sbr.rel .LBB2_1-.Ltmp0, $4  }
0x12: {  	[tilespmem:$0x1FFF0] =	vst v1;
	s7 =	sadd.s32 $0x1882, s9;
	s8 =	sadd.s32 $0x2D04, s9;
	s24 =	sadd.s32 $0x3200, s30;
	v1 =	vmov s23  }
0x13: {  	s9 =	sadd.s32 $0xA40, s29;
	s14 =	sshra.s32 s14, $0x2;
	s25 =	sadd.s32 $0x3C80, s30;
	v3 =	vmov s24  }
0x14: {  	v2 =	vimm.f32 $1.000000000e+00;
	vm15 =	vcmask $0x300;
	s12 =	sadd.s32 $0x2780, s14;
	s13 =	sadd.s32 $0x3200, s14;
	s14 =	sadd.s32 $0x3C80, s14;
	v4 =	vmov s25  }
0x15: {  	v0 =	vimm.f32 $-1.000000000e+00;
	v2 =	vsel vm15, $0xBF800000, v2;
	s23 =	sand.u32 $0x7FFFFFFF, s31;
	s24 =	simm.s32 $0x4F90;
	s25 =	simm.s32 $0x0  }
.LBB2_7:
0x16: {  	s25 =	sadd.s32 $0x1, s25  }
0x17: {  	p1 =	sne.s32 s25, s11  }
.Ltmp1:
0x18: {  	_ = 	snop;
	(pc) =	sbr.rel @!p1 .LBB2_8-.Ltmp1, $1  }
0x19: {  	_ =	sdelay $0x3  }
.LBB2_1:
0x1a: {  	[tilespmem:s5], [sflag:$0x1] =	stream.linear.gather [hbm4b:s2+s5], $0x2780, $0x38;
	[tilespmem:$0x5010] =	vst v63  }
0x1b: {  	_ = 	snop  }
0x1c: {  	[tilespmem:s15], [sflag:$0x2] =	stream.linear.gather [hbm4b:s6+s5], $0xA50, $0x38;
	[tilespmem:$0x5010] =	vst v63  }
0x1d: {  	_ = 	snop  }
0x1e: {  	[tilespmem:s16], [sflag:$0x2] =	stream.linear.gather [hbm4b:s7+s5], $0xA50, $0x38;
	[tilespmem:$0x5010] =	vst v63  }
0x1f: {  	_ = 	snop  }
0x20: {  	[tilespmem:s17], [sflag:$0x2] =	stream.linear.gather [hbm4b:s8+s5], $0xA50, $0x38;
	[tilespmem:$0x5010] =	vst v63  }
0x21: {  	_ =	swait.ge [sflag:s18], $0xA50  }
0x22: {  	[sflag:s18] =	ssyncset.done $0x0  }
0x23: {  	[sflag:s18] =	ssyncadd.s32 $0xFFFFF5B0  }
0x24: {  	_ =	swait.ge [sflag:s18], $0xA50  }
0x25: {  	[sflag:s18] =	ssyncset.done $0x0  }
0x26: {  	[sflag:s18] =	ssyncadd.s32 $0xFFFFF5B0  }
0x27: {  	_ =	swait.ge [sflag:s18], $0xA50  }
0x28: {  	[sflag:s18] =	ssyncset.done $0x0  }
0x29: {  	[sflag:s18] =	ssyncadd.s32 $0xFFFFF5B0  }
0x2a: {  	_ =	swait.ge [sflag:s19], $0x2780  }
0x2b: {  	[sflag:s19] =	ssyncset.done $0x0  }
0x2c: {  	[sflag:s19] =	ssyncadd.s32 $0xFFFFD880  }
0x2d: {  	v6 =	vld [tilespmem:s14+$0x30]  }
0x2e: {  	v7 =	vld [tilespmem:s12+$0x30]  }
0x2f: {  	v8 =	vld [tilespmem:s13+$0x30]  }
0x30: {  	v9 =	vld [tilespmem:s14+$0x20]  }
0x31: {  	v10 =	vld [tilespmem:s12+$0x20]  }
0x32: {  	v11 =	vld [tilespmem:s13+$0x20]  }
0x33: {  	v12 =	vld [tilespmem:s14+$0x10]  }
0x34: {  	v13 =	vld [tilespmem:s12+$0x10]  }
0x35: {  	v14 =	vld [tilespmem:s13+$0x10]  }
0x36: {  	v15 =	vld [tilespmem:s14+$0x0]  }
0x37: {  	v16 =	vld [tilespmem:s12+$0x0]  }
0x38: {  	v17 =	vld [tilespmem:s13+$0x0]  }
0x39: {  	v18 =	vld [tilespmem:s14+$0xFFFFFFF0]  }
0x3a: {  	v19 =	vld [tilespmem:s12+$0xFFFFFFF0]  }
0x3b: {  	v20 =	vld [tilespmem:s13+$0xFFFFFFF0]  }
0x3c: {  	v21 =	vld [tilespmem:s14+$0xFFFFFFE0]  }
0x3d: {  	v22 =	vld [tilespmem:s12+$0xFFFFFFE0]  }
0x3e: {  	v23 =	vld [tilespmem:s13+$0xFFFFFFE0]  }
0x3f: {  	v24 =	vld [tilespmem:s14+$0xFFFFFFD0]  }
0x40: {  	v25 =	vld [tilespmem:s12+$0xFFFFFFD0];
	v5 =	vshrl.u32 v6, $0x1  }
0x41: {  	v57 =	vimm.s32 $0x0;
	v26 =	vld [tilespmem:s13+$0xFFFFFFD0];
	v27 =	vshrl.u32 v7, $0x1  }
0x42: {  	v59 =	vimm.s32 $0x0;
	v60 =	vimm.s32 $0x0;
	v28 =	vld [tilespmem:s14+$0xFFFFFFC0];
	v29 =	vshrl.u32 v8, $0x1  }
0x43: {  	v61 =	vimm.s32 $0x0;
	v63 =	vimm.s32 $0x0;
	v30 =	vld [tilespmem:s12+$0xFFFFFFC0];
	v31 =	vshrl.u32 v9, $0x1  }
0x44: {  	v54 =	vimm.s32 $0x0;
	v55 =	vimm.s32 $0x0;
	v32 =	vld [tilespmem:s13+$0xFFFFFFC0];
	v33 =	vshrl.u32 v10, $0x1  }
0x45: {  	v56 =	vimm.s32 $0x0;
	v34 =	vshrl.u32 v11, $0x1;
	v36 =	vshrl.u32 v12, $0x1;
	v35 =	vld.idx.msk [tilespmem:v5+s5+$0x0], $0xffff  }
0x46: {  	v7 =	vand.u32 $0x1, v7;
	v6 =	vand.u32 $0x1, v6;
	v37 =	vshrl.u32 v13, $0x1;
	v27 =	vld.idx.msk [tilespmem:v27+s5+$0x0], $0xffff  }
0x47: {  	v9 =	vand.u32 $0x1, v9;
	v8 =	vand.u32 $0x1, v8;
	v38 =	vshrl.u32 v14, $0x1;
	v29 =	vld.idx.msk [tilespmem:v29+s5+$0x0], $0xffff  }
0x48: {  	v10 =	vand.u32 $0x1, v10;
	v11 =	vand.u32 $0x1, v11;
	v39 =	vshrl.u32 v15, $0x1;
	v31 =	vld.idx.msk [tilespmem:v31+s5+$0x0], $0xffff  }
0x49: {  	v13 =	vand.u32 $0x1, v13;
	v12 =	vand.u32 $0x1, v12;
	v40 =	vshrl.u32 v16, $0x1;
	v33 =	vld.idx.msk [tilespmem:v33+s5+$0x0], $0xffff  }
0x4a: {  	v15 =	vand.u32 $0x1, v15;
	v14 =	vand.u32 $0x1, v14;
	v41 =	vshrl.u32 v17, $0x1;
	v34 =	vld.idx.msk [tilespmem:v34+s5+$0x0], $0xffff  }
0x4b: {  	v16 =	vand.u32 $0x1, v16;
	v17 =	vand.u32 $0x1, v17;
	v42 =	vshrl.u32 v18, $0x1;
	v36 =	vld.idx.msk [tilespmem:v36+s5+$0x0], $0xffff  }
0x4c: {  	v43 =	vand.u32 $0x1, v19;
	v18 =	vand.u32 $0x1, v18;
	v19 =	vshrl.u32 v19, $0x1;
	v37 =	vld.idx.msk [tilespmem:v37+s5+$0x0], $0xffff  }
0x4d: {  	v44 =	vand.u32 $0x1, v21;
	v45 =	vand.u32 $0x1, v20;
	v20 =	vshrl.u32 v20, $0x1;
	v38 =	vld.idx.msk [tilespmem:v38+s5+$0x0], $0xffff  }
0x4e: {  	v46 =	vand.u32 $0x1, v22;
	v47 =	vand.u32 $0x1, v23;
	v21 =	vshrl.u32 v21, $0x1;
	v39 =	vld.idx.msk [tilespmem:v39+s5+$0x0], $0xffff  }
0x4f: {  	v48 =	vand.u32 $0x1, v25;
	v49 =	vand.u32 $0x1, v24;
	v50 =	vand.u32 $0x1, v28;
	v40 =	vld.idx.msk [tilespmem:v40+s5+$0x0], $0xffff  }
0x50: {  	v51 =	vand.u32 $0x1, v26;
	v52 =	vand.u32 $0x1, v30;
	v53 =	vand.u32 $0x1, v32;
	v41 =	vld.idx.msk [tilespmem:v41+s5+$0x0], $0xffff  }
0x51: {  	v24 =	vshrl.u32 v24, $0x1;
	v22 =	vshrl.u32 v22, $0x1;
	v23 =	vshrl.u32 v23, $0x1;
	v42 =	vld.idx.msk [tilespmem:v42+s5+$0x0], $0xffff  }
0x52: {  	v28 =	vshrl.u32 v28, $0x1;
	v25 =	vshrl.u32 v25, $0x1;
	v19 =	vld.idx.msk [tilespmem:v19+s5+$0x0], $0xffff;
	vm3 =	vlt.f32 v36, $0.0e+00  }
0x53: {  	v26 =	vshrl.u32 v26, $0x1;
	v20 =	vld.idx.msk [tilespmem:v20+s5+$0x0], $0xffff;
	vm2 =	vlt.f32 v27, $0.0e+00;
	v27 =	vsel vm3, $0xFFFFFFFF, v57  }
0x54: {  	v30 =	vshrl.u32 v30, $0x1;
	v32 =	vshrl.u32 v32, $0x1;
	v21 =	vld.idx.msk [tilespmem:v21+s5+$0x0], $0xffff;
	vm0 =	vlt.f32 v35, $0.0e+00;
	[tilespmem:$0x1FE10] =	vst v27  }
0x55: {  	vm1 =	vlt.f32 v31, $0.0e+00;
	vm6 =	vlt.f32 v29, $0.0e+00;
	vm5 =	vlt.f32 v33, $0.0e+00;
	v62 =	vld [tilespmem:$0x1FE10]  }
0x56: {  	vm8 =	vlt.f32 v34, $0.0e+00;
	vm9 =	vlt.f32 v39, $0.0e+00;
	vm10 =	vlt.f32 v37, $0.0e+00  }
0x57: {  	vm11 =	vlt.f32 v38, $0.0e+00;
	vm12 =	vlt.f32 v42, $0.0e+00;
	vm0 =	vmneg vm0  }
0x58: {  	vm4 =	vlt.f32 v20, $0.0e+00;
	v20 =	vsel vm0, $0xFFFFFFFF, v59;
	vm0 =	vmneg vm1;
	v22 =	vld.idx.msk [tilespmem:v22+s5+$0x0], $0xffff  }
0x59: {  	vm14 =	vlt.f32 v41, $0.0e+00;
	v58 =	vld.idx.msk [tilespmem:v24+s5+$0x0], $0xffff;
	[tilespmem:$0x1FDE0] =	vst v20;
	v20 =	vsel vm0, $0xFFFFFFFF, v60;
	vm0 =	vmneg vm6  }
0x5a: {  	vm15 =	vlt.f32 v21, $0.0e+00;
	v21 =	vsel vm0, $0xFFFFFFFF, v61;
	vm0 =	vnez.u8 v62  }
0x5b: {  	v29 =	vimm.s32 $0x0;
	v31 =	vimm.s32 $0x0;
	[tilespmem:$0x1FDF0] =	vst v20;
	vm0 =	vmneg vm0  }
0x5c: {  	v24 =	vimm.s32 $0x0;
	v20 =	vld.idx.msk [tilespmem:v23+s5+$0x0], $0xffff;
	[tilespmem:$0x1FE00] =	vst v21;
	v21 =	vsel vm0, $0xFFFFFFFF, v63;
	vm0 =	vmneg vm5  }
0x5d: {  	v27 =	vimm.s32 $0x0;
	[tilespmem:$0x1FE20] =	vst v21;
	v21 =	vsel vm0, $0xFFFFFFFF, v24;
	vm0 =	vmneg vm8  }
0x5e: {  	v33 =	vimm.s32 $0x0;
	[tilespmem:$0x1FE30] =	vst v21;
	v21 =	vsel vm0, $0xFFFFFFFF, v27;
	vm0 =	vmneg vm9  }
0x5f: {  	v34 =	vimm.s32 $0x0;
	[tilespmem:$0x1FE40] =	vst v21;
	v21 =	vsel vm0, $0xFFFFFFFF, v29;
	vm0 =	vmneg vm11  }
0x60: {  	v35 =	vimm.s32 $0x0;
	[tilespmem:$0x1FE50] =	vst v21;
	v21 =	vsel vm0, $0xFFFFFFFF, v31;
	vm0 =	vmneg vm12  }
0x61: {  	v36 =	vimm.s32 $0x0;
	[tilespmem:$0x1FE60] =	vst v21;
	v21 =	vsel vm0, $0xFFFFFFFF, v33;
	vm0 =	vmneg vm14  }
0x62: {  	vm3 =	vlt.f32 v19, $0.0e+00;
	[tilespmem:$0x1FE70] =	vst v21;
	v21 =	vsel vm0, $0xFFFFFFFF, v34;
	vm0 =	vmneg vm15  }
0x63: {  	vm7 =	vmneg vm2;
	[tilespmem:$0x1FE80] =	vst v21;
	v21 =	vsel vm0, $0xFFFFFFFF, v35;
	vm0 =	vmneg vm4  }
0x64: {  	vm1 =	vlt.f32 v22, $0.0e+00;
	[tilespmem:$0x1FE90] =	vst v21;
	v21 =	vsel vm0, $0xFFFFFFFF, v36;
	vm0 =	vlt.f32 v58, $0.0e+00  }
0x65: {  	vm9 =	vmneg vm3;
	vm3 =	vmneg vm0;
	vm0 =	vlt.f32 v20, $0.0e+00  }
0x66: {  	vm2 =	vmneg vm0;
	vm0 =	veq.s32 v6, $0x1;
	v6 =	vimm.s32 $0x0  }
0x67: {  	vm8 =	vmneg vm10;
	vm10 =	vmneg vm1;
	[tilespmem:$0x1FEA0] =	vst v21;
	v6 =	vsel vm0, $0xFFFFFFFF, v6  }
0x68: {  	vm1 =	veq.s32 v7, $0x1;
	v37 =	vld.idx.msk [tilespmem:v25+s5+$0x0], $0xffff;
	vm0 =	veq.s32 v9, $0x1;
	[tilespmem:$0x1FEB0] =	vst v6;
	v6 =	vimm.s32 $0x0  }
0x69: {  	v7 =	vimm.s32 $0x0;
	v6 =	vsel vm0, $0xFFFFFFFF, v6;
	vm0 =	veq.s32 v8, $0x1  }
0x6a: {  	v5 =	vimm.f32 $0.0e+00;
	vm13 =	vlt.f32 v40, $0.0e+00;
	[tilespmem:$0x1FEC0] =	vst v6;
	v7 =	vsel vm0, $0xFFFFFFFF, v7  }
0x6b: {  	v38 =	vimm.s32 $0x0;
	vm0 =	veq.s32 v12, $0x1;
	v6 =	vld.idx.msk [tilespmem:v26+s5+$0x0], $0xffff;
	[tilespmem:$0x1FED0] =	vst v7;
	v7 =	vimm.s32 $0x0  }
0x6c: {  	v39 =	vimm.s32 $0x0;
	v7 =	vsel vm0, $0xFFFFFFFF, v7;
	vm0 =	veq.s32 v11, $0x1  }
0x6d: {  	v40 =	vimm.s32 $0x0;
	[tilespmem:$0x1FEE0] =	vst v7;
	v8 =	vsel vm0, $0xFFFFFFFF, v38;
	vm0 =	veq.s32 v15, $0x1  }
0x6e: {  	v41 =	vimm.s32 $0x0;
	v7 =	vld.idx.msk [tilespmem:v28+s5+$0x0], $0xffff;
	[tilespmem:$0x1FEF0] =	vst v8;
	v8 =	vsel vm0, $0xFFFFFFFF, v39;
	vm0 =	veq.s32 v14, $0x1  }
0x6f: {  	v42 =	vimm.s32 $0x0;
	[tilespmem:$0x1FF00] =	vst v8;
	v9 =	vsel vm0, $0xFFFFFFFF, v40;
	vm0 =	veq.s32 v18, $0x1  }
0x70: {  	vm4 =	veq.s32 v10, $0x1;
	v8 =	vld.idx.msk [tilespmem:v30+s5+$0x0], $0xffff;
	[tilespmem:$0x1FF10] =	vst v9;
	v9 =	vsel vm0, $0xFFFFFFFF, v41;
	vm0 =	veq.s32 v17, $0x1  }
0x71: {  	[tilespmem:$0x1FF20] =	vst v9;
	v10 =	vsel vm0, $0xFFFFFFFF, v42;
	vm0 =	veq.s32 v44, $0x1;
	v44 =	vimm.s32 $0x0  }
0x72: {  	v57 =	vimm.s32 $0x0;
	v9 =	vld.idx.msk [tilespmem:v32+s5+$0x0], $0xffff;
	[tilespmem:$0x1FF30] =	vst v10;
	v10 =	vsel vm0, $0xFFFFFFFF, v44;
	vm0 =	veq.s32 v43, $0x1  }
0x73: {  	v59 =	vimm.s32 $0x0;
	[tilespmem:$0x1FF40] =	vst v10;
	v10 =	vsel vm0, $0xFFFFFFFF, v54;
	vm0 =	veq.s32 v45, $0x1  }
0x74: {  	vm6 =	veq.s32 v16, $0x1;
	[tilespmem:$0x1FF50] =	vst v10;
	v10 =	vsel vm0, $0xFFFFFFFF, v55;
	vm0 =	veq.s32 v49, $0x1  }
0x75: {  	v60 =	vimm.s32 $0x0;
	[tilespmem:$0x1FF60] =	vst v10;
	v10 =	vsel vm0, $0xFFFFFFFF, v56;
	vm0 =	veq.s32 v46, $0x1  }
0x76: {  	v58 =	vimm.s32 $0x0;
	[tilespmem:$0x1FF70] =	vst v10;
	v10 =	vsel vm0, $0xFFFFFFFF, v57;
	vm0 =	veq.s32 v47, $0x1  }
0x77: {  	v61 =	vimm.s32 $0x0;
	[tilespmem:$0x1FF80] =	vst v10;
	v10 =	vsel vm0, $0xFFFFFFFF, v58;
	vm0 =	veq.s32 v50, $0x1  }
0x78: {  	v62 =	vimm.s32 $0x0;
	[tilespmem:$0x1FF90] =	vst v10;
	v10 =	vsel vm0, $0xFFFFFFFF, v59;
	vm0 =	veq.s32 v48, $0x1  }
0x79: {  	vm5 =	veq.s32 v13, $0x1;
	[tilespmem:$0x1FFA0] =	vst v10;
	v10 =	vsel vm0, $0xFFFFFFFF, v60;
	vm0 =	veq.s32 v51, $0x1  }
0x7a: {  	v63 =	vimm.s32 $0x0;
	[tilespmem:$0x1FFB0] =	vst v10;
	v10 =	vsel vm0, $0xFFFFFFFF, v61;
	vm0 =	veq.s32 v52, $0x1  }
0x7b: {  	vm11 =	vmneg vm13;
	[tilespmem:$0x1FFC0] =	vst v10;
	v10 =	vsel vm0, $0xFFFFFFFF, v62;
	vm0 =	veq.s32 v53, $0x1  }
0x7c: {  	s26 =	simm.s32 $0x0;
	vm12 =	vlt.f32 v37, $0.0e+00;
	vm14 =	vlt.f32 v6, $0.0e+00;
	[tilespmem:$0x1FFD0] =	vst v10;
	v10 =	vsel vm0, $0xFFFFFFFF, v63  }
0x7d: {  	s28 =	sadd.s32 $0x80, s14;
	s29 =	smov.u32 s12;
	s30 =	smov.u32 s13;
	vm13 =	vlt.f32 v7, $0.0e+00;
	vm15 =	vlt.f32 v8, $0.0e+00;
	vm0 =	vlt.f32 v9, $0.0e+00;
	[tilespmem:$0x1FFE0] =	vst v10  }
.LBB2_2:
0x7e: {  	v6 =	vld [tilespmem:s28+$0x30]  }
0x7f: {  	v9 =	vld [tilespmem:$0x1FE30]  }
0x80: {  	v10 =	vld [tilespmem:$0x1FFD0]  }
0x81: {  	v36 =	vld [tilespmem:$0x1FFE0]  }
0x82: {  	v37 =	vld [tilespmem:$0x1FF50]  }
0x83: {  	v11 =	vld [tilespmem:$0x1FFA0]  }
0x84: {  	v38 =	vld [tilespmem:$0x1FF80]  }
0x85: {  	v12 =	vld [tilespmem:$0x1FFB0]  }
0x86: {  	v39 =	vld [tilespmem:$0x1FFC0]  }
0x87: {  	v14 =	vld [tilespmem:$0x1FF70]  }
0x88: {  	v41 =	vld [tilespmem:$0x1FF90]  }
0x89: {  	v16 =	vld [tilespmem:$0x1FF40]  }
0x8a: {  	v43 =	vld [tilespmem:$0x1FE90]  }
0x8b: {  	s29 =	sadd.s32 $0x80, s29;
	v44 =	vld [tilespmem:$0x1FF60]  }
0x8c: {  	s30 =	sadd.s32 $0x80, s30;
	v7 =	vld [tilespmem:s29+$0x30]  }
0x8d: {  	vm13 =	vmneg vm13;
	vm12 =	vmneg vm12;
	vm14 =	vmneg vm14;
	v8 =	vld [tilespmem:s30+$0x30]  }
0x8e: {  	vm15 =	vmneg vm15;
	vm0 =	vmneg vm0;
	vm7 =	vmxor vm7, vm1;
	v45 =	vld [tilespmem:$0x1FEA0]  }
0x8f: {  	vm11 =	vmxor vm11, vm6;
	vm8 =	vmxor vm8, vm5;
	v40 =	vld [tilespmem:s29+$0x10];
	vm1 =	vnez.u8 v9  }
0x90: {  	v18 =	vld [tilespmem:$0x1FF20];
	vm5 =	vnez.u8 v38;
	v27 =	vshrl.u32 v6, $0x1;
	v6 =	vand.u32 $0x1, v6  }
0x91: {  	v42 =	vld [tilespmem:s30+$0x10];
	vm6 =	vmxor vm1, vm4;
	vm1 =	vnez.u8 v10;
	vm5 =	vmxor vm10, vm5  }
0x92: {  	v9 =	vld [tilespmem:s28+$0x20];
	v28 =	vshrl.u32 v7, $0x1;
	v31 =	vshrl.u32 v8, $0x1;
	v7 =	vand.u32 $0x1, v7  }
0x93: {  	v10 =	vld [tilespmem:s29+$0x20];
	v8 =	vand.u32 $0x1, v8;
	vm15 =	vmxor vm15, vm1;
	vm1 =	vnez.u8 v36  }
0x94: {  	v47 =	vld [tilespmem:$0x1FE70];
	vm0 =	vmxor vm0, vm1;
	vm1 =	vnez.u8 v37;
	v37 =	vshrl.u32 v40, $0x1  }
0x95: {  	v46 =	vld [tilespmem:s29+$0x0];
	vm4 =	vmxor vm9, vm1;
	vm0 =	vmor vm15, vm0;
	vm1 =	vnez.u8 v11  }
0x96: {  	v52 =	vld [tilespmem:s29+$0xFFFFFFF0];
	vm9 =	vnez.u8 v39;
	v39 =	vshrl.u32 v42, $0x1;
	vm1 =	vmxor vm13, vm1  }
0x97: {  	v11 =	vld [tilespmem:s30+$0x20];
	vm9 =	vmxor vm14, vm9;
	v32 =	vshrl.u32 v9, $0x1;
	v9 =	vand.u32 $0x1, v9  }
0x98: {  	v48 =	vld [tilespmem:$0x1FF30];
	vm0 =	vmor vm0, vm1;
	vm1 =	vnez.u8 v12;
	v34 =	vshrl.u32 v10, $0x1  }
0x99: {  	v50 =	vld [tilespmem:s28+$0xFFFFFFF0];
	v10 =	vand.u32 $0x1, v10;
	vm1 =	vmxor vm12, vm1;
	v13 =	vsel vm0, $0x3F800000, v0  }
0x9a: {  	v12 =	vld [tilespmem:s28+$0x10];
	vm0 =	vmor vm1, vm9;
	vm1 =	vnez.u8 v14;
	v5 =	vadd.f32 v13, v5  }
0x9b: {  	v49 =	vld [tilespmem:$0x1FE80];
	v14 =	vand.u32 $0x1, v40;
	v13 =	vand.u32 $0x1, v42;
	v40 =	vand.u32 $0x1, v46  }
0x9c: {  	v20 =	vld [tilespmem:$0x1FF00];
	v42 =	vand.u32 $0x1, v52;
	vm1 =	vmxor vm3, vm1;
	v35 =	vshrl.u32 v11, $0x1  }
0x9d: {  	v55 =	vld [tilespmem:s30+$0xFFFFFFF0];
	v11 =	vand.u32 $0x1, v11;
	vm0 =	vmor vm0, vm1;
	vm1 =	vnez.u8 v41  }
0x9e: {  	v51 =	vld [tilespmem:$0x1FE50];
	vm1 =	vmxor vm2, vm1;
	v15 =	vsel vm0, $0x3F800000, v0;
	vm2 =	vnez.u8 v43  }
0x9f: {  	v60 =	vld [tilespmem:s30+$0xFFFFFFE0];
	v36 =	vshrl.u32 v12, $0x1;
	v12 =	vand.u32 $0x1, v12;
	v43 =	vand.u32 $0x1, v50  }
0xa0: {  	v30 =	vld [tilespmem:s28+$0xFFFFFFC0];
	vm0 =	vmor vm5, vm1;
	vm1 =	vnez.u8 v16;
	v5 =	vadd.f32 v15, v5  }
0xa1: {  	v16 =	vld [tilespmem:s28+$0x0];
	v15 =	vshrl.u32 v46, $0x1;
	vm1 =	vmxor vm2, vm1;
	vm2 =	vnez.u8 v45  }
0xa2: {  	v63 =	vld [tilespmem:s28+$0xFFFFFFD0];
	v45 =	vand.u32 $0x1, v55;
	vm0 =	vmor vm0, vm1;
	vm1 =	vnez.u8 v44  }
0xa3: {  	v53 =	vld [tilespmem:$0x1FF10];
	vm1 =	vmxor vm2, vm1;
	v17 =	vsel vm0, $0x3F800000, v0;
	vm2 =	vnez.u8 v47  }
0xa4: {  	v54 =	vld [tilespmem:$0x1FE60];
	v47 =	vand.u32 $0x1, v60;
	vm0 =	vmor vm4, vm1;
	vm1 =	vnez.u8 v18  }
0xa5: {  	v22 =	vld [tilespmem:$0x1FEE0];
	v5 =	vadd.f32 v17, v5;
	v17 =	vshrl.u32 v50, $0x1;
	v50 =	vand.u32 $0x1, v30  }
0xa6: {  	v56 =	vld [tilespmem:$0x1FE20];
	vm1 =	vmxor vm2, vm1;
	vm2 =	vnez.u8 v49;
	v38 =	vand.u32 $0x1, v16  }
0xa7: {  	v57 =	vld [tilespmem:$0x1FEF0];
	v49 =	vand.u32 $0x1, v63;
	vm0 =	vmor vm0, vm1;
	vm1 =	vnez.u8 v48  }
0xa8: {  	v33 =	vld [tilespmem:s30+$0xFFFFFFC0];
	vm1 =	vmxor vm2, vm1;
	v19 =	vsel vm0, $0x3F800000, v0;
	vm2 =	vnez.u8 v51  }
0xa9: {  	v18 =	vld [tilespmem:s30+$0x0];
	vm0 =	vmor vm11, vm1;
	vm1 =	vnez.u8 v20;
	v5 =	vadd.f32 v19, v5  }
0xaa: {  	v58 =	vld [tilespmem:$0x1FE40];
	v20 =	vshrl.u32 v52, $0x1;
	v19 =	vshrl.u32 v55, $0x1;
	vm1 =	vmxor vm2, vm1  }
0xab: {  	v24 =	vld [tilespmem:$0x1FEC0];
	vm2 =	vnez.u8 v54;
	vm0 =	vmor vm0, vm1;
	vm1 =	vnez.u8 v53  }
0xac: {  	v59 =	vld [tilespmem:$0x1FDF0];
	v55 =	vimm.s32 $0x0;
	vm1 =	vmxor vm2, vm1;
	v21 =	vsel vm0, $0x3F800000, v0  }
0xad: {  	v61 =	vld [tilespmem:$0x1FED0];
	vm2 =	vnez.u8 v56;
	vm0 =	vmor vm8, vm1;
	vm1 =	vnez.u8 v22  }
0xae: {  	v62 =	vld [tilespmem:$0x1FE00];
	v41 =	vand.u32 $0x1, v18;
	v53 =	vand.u32 $0x1, v33;
	vm1 =	vmxor vm2, vm1  }
0xaf: {  	v26 =	vld [tilespmem:$0x1FEB0];
	vm2 =	vnez.u8 v58;
	vm0 =	vmor vm0, vm1;
	vm1 =	vnez.u8 v57  }
0xb0: {  	v56 =	vld [tilespmem:$0x1FDE0];
	v5 =	vadd.f32 v21, v5;
	vm1 =	vmxor vm2, vm1;
	v23 =	vsel vm0, $0x3F800000, v0  }
0xb1: {  	v22 =	vld [tilespmem:s28+$0xFFFFFFE0];
	vm2 =	vnez.u8 v59;
	vm0 =	vmor vm6, vm1;
	vm1 =	vnez.u8 v24  }
0xb2: {  	v21 =	vld [tilespmem:s29+$0xFFFFFFE0];
	v5 =	vadd.f32 v23, v5;
	v23 =	vshrl.u32 v63, $0x1;
	vm1 =	vmxor vm2, vm1  }
0xb3: {  	vm2 =	vnez.u8 v62;
	vm0 =	vmor vm0, vm1;
	vm1 =	vnez.u8 v61  }
0xb4: {  	v24 =	vshrl.u32 v60, $0x1;
	vm1 =	vmxor vm2, vm1;
	v25 =	vsel vm0, $0x3F800000, v0  }
0xb5: {  	vm2 =	vnez.u8 v56;
	vm0 =	vmor vm7, vm1;
	vm1 =	vnez.u8 v26  }
0xb6: {  	v60 =	vimm.s32 $0x0;
	v63 =	vimm.s32 $0x0;
	vm1 =	vmxor vm2, vm1  }
0xb7: {  	v58 =	vld [tilespmem:s30+$0xFFFFFFD0];
	v44 =	vand.u32 $0x1, v22;
	v46 =	vand.u32 $0x1, v21;
	vm0 =	vmor vm0, vm1  }
0xb8: {  	v29 =	vsel vm0, $0x3F800000, v0;
	vm0 =	veq.s32 v6, $0x1;
	v6 =	vimm.s32 $0x0  }
0xb9: {  	v57 =	vld [tilespmem:s29+$0xFFFFFFD0];
	v22 =	vshrl.u32 v22, $0x1;
	v6 =	vsel vm0, $0xFFFFFFFF, v6;
	vm0 =	veq.s32 v9, $0x1  }
0xba: {  	v9 =	vsel vm0, $0xFFFFFFFF, v60;
	vm0 =	veq.s32 v7, $0x1;
	v7 =	vimm.s32 $0x0  }
0xbb: {  	v21 =	vshrl.u32 v21, $0x1;
	v62 =	vimm.s32 $0x0;
	[tilespmem:$0x1FEB0] =	vst v6;
	v7 =	vsel vm0, $0xFFFFFFFF, v7  }
0xbc: {  	v51 =	vand.u32 $0x1, v58;
	vm0 =	veq.s32 v8, $0x1;
	[tilespmem:$0x1FD70] =	vst v7;
	v7 =	vimm.s32 $0x0  }
0xbd: {  	v61 =	vimm.s32 $0x0;
	[tilespmem:$0x1FEC0] =	vst v9;
	v7 =	vsel vm0, $0xFFFFFFFF, v7;
	vm0 =	veq.s32 v12, $0x1  }
0xbe: {  	v48 =	vand.u32 $0x1, v57;
	[tilespmem:$0x1FED0] =	vst v7;
	v8 =	vsel vm0, $0xFFFFFFFF, v61;
	vm0 =	veq.s32 v10, $0x1  }
0xbf: {  	v56 =	vimm.s32 $0x0;
	[tilespmem:$0x1FEE0] =	vst v8;
	v8 =	vsel vm0, $0xFFFFFFFF, v62;
	vm0 =	veq.s32 v11, $0x1  }
0xc0: {  	s31 =	simm.s32 $0x0;
	v12 =	vimm.s32 $0x0;
	[tilespmem:$0x1FD40] =	vst v8;
	v8 =	vsel vm0, $0xFFFFFFFF, v63;
	vm0 =	veq.s32 v38, $0x1  }
0xc1: {  	v6 =	vld.idx.msk [tilespmem:v19+s31+$0x0], $0xffff;
	[tilespmem:$0x1FEF0] =	vst v8;
	v9 =	vsel vm0, $0xFFFFFFFF, v12;
	vm0 =	veq.s32 v14, $0x1;
	v14 =	vimm.s32 $0x0  }
0xc2: {  	v19 =	vimm.s32 $0x0;
	v7 =	vld.idx.msk [tilespmem:v22+s31+$0x0], $0xffff;
	[tilespmem:$0x1FF00] =	vst v9;
	v9 =	vsel vm0, $0xFFFFFFFF, v14;
	vm0 =	veq.s32 v13, $0x1  }
0xc3: {  	v22 =	vimm.s32 $0x0;
	v8 =	vld.idx.msk [tilespmem:v21+s31+$0x0], $0xffff;
	[tilespmem:$0x1FD50] =	vst v9;
	v9 =	vsel vm0, $0xFFFFFFFF, v19;
	vm0 =	veq.s32 v43, $0x1  }
0xc4: {  	v21 =	vld.idx.msk [tilespmem:v24+s31+$0x0], $0xffff;
	v24 =	vimm.s32 $0x0;
	v10 =	vsel vm0, $0xFFFFFFFF, v22;
	vm0 =	veq.s32 v40, $0x1  }
0xc5: {  	v38 =	vimm.s32 $0x0;
	[tilespmem:$0x1FF20] =	vst v10;
	v10 =	vsel vm0, $0xFFFFFFFF, v24;
	vm0 =	veq.s32 v41, $0x1  }
0xc6: {  	v41 =	vimm.s32 $0x0;
	[tilespmem:$0x1FD60] =	vst v10;
	v10 =	vsel vm0, $0xFFFFFFFF, v38;
	vm0 =	veq.s32 v44, $0x1  }
0xc7: {  	v11 =	vsel vm0, $0xFFFFFFFF, v41;
	vm0 =	veq.s32 v42, $0x1;
	v42 =	vimm.s32 $0x0  }
0xc8: {  	v43 =	vimm.s32 $0x0;
	[tilespmem:$0x1FF40] =	vst v11;
	v11 =	vsel vm0, $0xFFFFFFFF, v42;
	vm0 =	veq.s32 v45, $0x1  }
0xc9: {  	v59 =	vld [tilespmem:s29+$0xFFFFFFC0];
	v45 =	vimm.s32 $0x0;
	[tilespmem:$0x1FF50] =	vst v11;
	v11 =	vsel vm0, $0xFFFFFFFF, v43;
	vm0 =	veq.s32 v49, $0x1  }
0xca: {  	v12 =	vsel vm0, $0xFFFFFFFF, v45;
	vm0 =	veq.s32 v46, $0x1;
	v46 =	vimm.s32 $0x0  }
0xcb: {  	[tilespmem:$0x1FF70] =	vst v12;
	v12 =	vsel vm0, $0xFFFFFFFF, v46;
	vm0 =	veq.s32 v47, $0x1;
	v47 =	vimm.s32 $0x0  }
0xcc: {  	v32 =	vld.idx.msk [tilespmem:v32+s31+$0x0], $0xffff;
	v49 =	vimm.s32 $0x0;
	[tilespmem:$0x1FF80] =	vst v12;
	v12 =	vsel vm0, $0xFFFFFFFF, v47;
	vm0 =	veq.s32 v50, $0x1  }
0xcd: {  	v28 =	vld.idx.msk [tilespmem:v28+s31+$0x0], $0xffff;
	v50 =	vimm.s32 $0x0;
	[tilespmem:$0x1FF90] =	vst v12;
	v12 =	vsel vm0, $0xFFFFFFFF, v49;
	vm0 =	veq.s32 v48, $0x1  }
0xce: {  	v31 =	vld.idx.msk [tilespmem:v31+s31+$0x0], $0xffff;
	v52 =	vand.u32 $0x1, v59;
	[tilespmem:$0x1FFA0] =	vst v12;
	v12 =	vsel vm0, $0xFFFFFFFF, v50;
	vm0 =	veq.s32 v51, $0x1  }
0xcf: {  	v26 =	vshrl.u32 v57, $0x1;
	v13 =	vsel vm0, $0xFFFFFFFF, v55;
	vm0 =	veq.s32 v52, $0x1  }
0xd0: {  	v57 =	vimm.s32 $0x0;
	[tilespmem:$0x1FFC0] =	vst v13;
	v13 =	vsel vm0, $0xFFFFFFFF, v56;
	vm0 =	veq.s32 v53, $0x1  }
0xd1: {  	v20 =	vld.idx.msk [tilespmem:v20+s31+$0x0], $0xffff;
	v60 =	vimm.s32 $0x0;
	[tilespmem:$0x1FFD0] =	vst v13;
	v13 =	vsel vm0, $0xFFFFFFFF, v57;
	vm0 =	vlt.f32 v32, $0.0e+00  }
0xd2: {  	v61 =	vimm.s32 $0x0;
	v19 =	vsel vm0, $0xFFFFFFFF, v60;
	vm0 =	vlt.f32 v28, $0.0e+00  }
0xd3: {  	v62 =	vimm.s32 $0x0;
	[tilespmem:$0x1FD10] =	vst v19;
	v19 =	vsel vm0, $0xFFFFFFFF, v61;
	vm0 =	vlt.f32 v31, $0.0e+00  }
0xd4: {  	v40 =	vld.idx.msk [tilespmem:v23+s31+$0x0], $0xffff;
	[tilespmem:$0x1FD20] =	vst v19;
	v19 =	vsel vm0, $0xFFFFFFFF, v62;
	vm0 =	vlt.f32 v7, $0.0e+00;
	v7 =	vimm.s32 $0x0  }
0xd5: {  	v7 =	vsel vm0, $0xFFFFFFFF, v7  }
0xd6: {  	vm0 =	vlt.f32 v20, $0.0e+00;
	[tilespmem:$0x1FD80] =	vst v7;
	v7 =	vimm.s32 $0x0  }
0xd7: {  	v7 =	vsel vm0, $0xFFFFFFFF, v7;
	vm0 =	vlt.f32 v6, $0.0e+00;
	v6 =	vimm.s32 $0x0  }
0xd8: {  	v6 =	vsel vm0, $0xFFFFFFFF, v6  }
0xd9: {  	v27 =	vld.idx.msk [tilespmem:v27+s31+$0x0], $0xffff;
	vm0 =	vlt.f32 v40, $0.0e+00;
	[tilespmem:$0x1FDA0] =	vst v6;
	v6 =	vimm.s32 $0x0  }
0xda: {  	v6 =	vsel vm0, $0xFFFFFFFF, v6  }
0xdb: {  	vm0 =	vlt.f32 v8, $0.0e+00;
	[tilespmem:$0x1FDB0] =	vst v6;
	v6 =	vimm.s32 $0x0  }
0xdc: {  	v6 =	vsel vm0, $0xFFFFFFFF, v6  }
0xdd: {  	vm0 =	vlt.f32 v21, $0.0e+00;
	[tilespmem:$0x1FDC0] =	vst v6;
	v6 =	vimm.s32 $0x0  }
0xde: {  	vm7 =	vlt.f32 v27, $0.0e+00;
	v6 =	vsel vm0, $0xFFFFFFFF, v6  }
0xdf: {  	vm8 =	vmneg vm7;
	[tilespmem:$0x1FDD0] =	vst v6;
	v6 =	vimm.s32 $0x0  }
0xe0: {  	v6 =	vsel vm8, $0xFFFFFFFF, v6  }
0xe1: {  	[tilespmem:$0x1FDE0] =	vst v6;
	v6 =	vld [tilespmem:$0x1FD10];
	_ =	sdelay $0x4  }
0xe2: {  	vm7 =	vnez.u8 v6  }
0xe3: {  	v6 =	vimm.s32 $0x0;
	vm8 =	vmneg vm7  }
0xe4: {  	v6 =	vsel vm8, $0xFFFFFFFF, v6  }
0xe5: {  	[tilespmem:$0x1FDF0] =	vst v6;
	v6 =	vld [tilespmem:$0x1FD20];
	_ =	sdelay $0x3  }
0xe6: {  	[tilespmem:$0x1FD30] =	vst v19  }
0xe7: {  	vm7 =	vnez.u8 v6;
	v6 =	vld [tilespmem:$0x1FD30];
	_ =	sdelay $0x1  }
0xe8: {  	v36 =	vld.idx.msk [tilespmem:v36+s31+$0x0], $0xffff  }
0xe9: {  	v16 =	vshrl.u32 v16, $0x1  }
0xea: {  	v34 =	vld.idx.msk [tilespmem:v34+s31+$0x0], $0xffff  }
0xeb: {  	vm8 =	vnez.u8 v6  }
0xec: {  	v35 =	vld.idx.msk [tilespmem:v35+s31+$0x0], $0xffff;
	v6 =	vimm.s32 $0x0;
	vm8 =	vmneg vm8  }
0xed: {  	vm9 =	vlt.f32 v36, $0.0e+00;
	v6 =	vsel vm8, $0xFFFFFFFF, v6  }
0xee: {  	v16 =	vld.idx.msk [tilespmem:v16+s31+$0x0], $0xffff;
	vm8 =	vmneg vm9;
	[tilespmem:$0x1FE00] =	vst v6;
	v6 =	vimm.s32 $0x0  }
0xef: {  	vm10 =	vlt.f32 v34, $0.0e+00;
	v6 =	vsel vm8, $0xFFFFFFFF, v6  }
0xf0: {  	vm8 =	vmneg vm10;
	[tilespmem:$0x1FE20] =	vst v6;
	v6 =	vimm.s32 $0x0  }
0xf1: {  	vm11 =	vlt.f32 v35, $0.0e+00;
	v6 =	vsel vm8, $0xFFFFFFFF, v6  }
0xf2: {  	vm8 =	vmneg vm11;
	[tilespmem:$0x1FE30] =	vst v6;
	v6 =	vimm.s32 $0x0  }
0xf3: {  	vm1 =	vlt.f32 v16, $0.0e+00;
	v6 =	vsel vm8, $0xFFFFFFFF, v6  }
0xf4: {  	vm1 =	vmneg vm1;
	[tilespmem:$0x1FE40] =	vst v6;
	v6 =	vimm.s32 $0x0  }
0xf5: {  	v37 =	vld.idx.msk [tilespmem:v37+s31+$0x0], $0xffff;
	v6 =	vsel vm1, $0xFFFFFFFF, v6  }
0xf6: {  	[tilespmem:$0x1FE50] =	vst v6;
	v6 =	vld [tilespmem:$0x1FD40];
	_ =	sdelay $0x3  }
0xf7: {  	v39 =	vld.idx.msk [tilespmem:v39+s31+$0x0], $0xffff;
	vm4 =	vlt.f32 v37, $0.0e+00  }
0xf8: {  	vm8 =	vmneg vm4;
	vm4 =	vnez.u8 v6;
	v6 =	vld [tilespmem:$0x1FD50]  }
0xf9: {  	v17 =	vld.idx.msk [tilespmem:v17+s31+$0x0], $0xffff;
	_ =	sdelay $0x1  }
0xfa: {  	v18 =	vshrl.u32 v18, $0x1  }
0xfb: {  	vm5 =	vlt.f32 v39, $0.0e+00  }
0xfc: {  	vm1 =	vmneg vm5;
	vm5 =	vnez.u8 v6;
	v6 =	vimm.s32 $0x0  }
0xfd: {  	vm2 =	vlt.f32 v17, $0.0e+00;
	v6 =	vsel vm1, $0xFFFFFFFF, v6  }
0xfe: {  	vm1 =	vmneg vm2;
	[tilespmem:$0x1FE60] =	vst v6;
	v6 =	vimm.s32 $0x0  }
0xff: {  	v18 =	vld.idx.msk [tilespmem:v18+s31+$0x0], $0xffff;
	v6 =	vsel vm1, $0xFFFFFFFF, v6  }
0x100: {  	[tilespmem:$0x1FE70] =	vst v6;
	v6 =	vld [tilespmem:$0x1FD60];
	_ =	sdelay $0x3  }
0x101: {  	vm6 =	vlt.f32 v18, $0.0e+00  }
0x102: {  	vm1 =	vmneg vm6;
	vm6 =	vnez.u8 v6;
	v6 =	vimm.s32 $0x0  }
0x103: {  	v6 =	vsel vm1, $0xFFFFFFFF, v6  }
0x104: {  	[tilespmem:$0x1FE80] =	vst v6;
	v6 =	vld [tilespmem:$0x1FD70];
	_ =	sdelay $0x4  }
0x105: {  	vm1 =	vnez.u8 v6;
	v6 =	vld [tilespmem:$0x1FD80];
	_ =	sdelay $0x4  }
0x106: {  	vm2 =	vnez.u8 v6  }
0x107: {  	v6 =	vimm.s32 $0x0;
	vm2 =	vmneg vm2  }
0x108: {  	[tilespmem:$0x1FD90] =	vst v7;
	v6 =	vsel vm2, $0xFFFFFFFF, v6  }
0x109: {  	[tilespmem:$0x1FE90] =	vst v6;
	v6 =	vld [tilespmem:$0x1FD90];
	_ =	sdelay $0x4  }
0x10a: {  	vm2 =	vnez.u8 v6;
	v6 =	vld [tilespmem:$0x1FDA0];
	_ =	sdelay $0x4  }
0x10b: {  	vm9 =	vmneg vm2;
	vm2 =	vnez.u8 v6  }
0x10c: {  	v6 =	vimm.s32 $0x0;
	vm2 =	vmneg vm2  }
0x10d: {  	v6 =	vsel vm2, $0xFFFFFFFF, v6  }
0x10e: {  	[tilespmem:$0x1FEA0] =	vst v6;
	v6 =	vld [tilespmem:$0x1FDB0]  }
0x10f: {  	v30 =	vshrl.u32 v30, $0x1;
	v5 =	vadd.f32 v25, v5  }
0x110: {  	v25 =	vshrl.u32 v58, $0x1  }
0x111: {  	v5 =	vadd.f32 v29, v5;
	v29 =	vshrl.u32 v59, $0x1  }
0x112: {  	v15 =	vld.idx.msk [tilespmem:v15+s31+$0x0], $0xffff  }
0x113: {  	vm2 =	vnez.u8 v6;
	v6 =	vld [tilespmem:$0x1FDC0]  }
0x114: {  	v33 =	vshrl.u32 v33, $0x1;
	v58 =	vld.idx.msk [tilespmem:v30+s31+$0x0], $0xffff  }
0x115: {  	v54 =	vld.idx.msk [tilespmem:v25+s31+$0x0], $0xffff  }
0x116: {  	v59 =	vld.idx.msk [tilespmem:v29+s31+$0x0], $0xffff  }
0x117: {  	vm3 =	vlt.f32 v15, $0.0e+00;
	v44 =	vld.idx.msk [tilespmem:v26+s31+$0x0], $0xffff  }
0x118: {  	s26 =	sadd.s32 $0x8, s26;
	vm11 =	vmneg vm3;
	vm3 =	vmneg vm2;
	vm2 =	vnez.u8 v6;
	v6 =	vld [tilespmem:$0x1FDD0]  }
0x119: {  	p1 =	slt.u32 s26, $0x98;
	v63 =	vld.idx.msk [tilespmem:v33+s31+$0x0], $0xffff  }
.Ltmp2:
0x11a: {  	[tilespmem:$0x1FF10] =	vst v9;
	(pc) =	sbr.rel @p1 .LBB2_2-.Ltmp2, $4  }
0x11b: {  	[tilespmem:$0x1FF30] =	vst v10  }
0x11c: {  	vm13 =	vlt.f32 v58, $0.0e+00;
	vm14 =	vlt.f32 v54, $0.0e+00;
	vm15 =	vlt.f32 v59, $0.0e+00;
	[tilespmem:$0x1FF60] =	vst v11  }
0x11d: {  	vm12 =	vlt.f32 v44, $0.0e+00;
	[tilespmem:$0x1FFB0] =	vst v12;
	vm10 =	vmneg vm2;
	vm2 =	vnez.u8 v6  }
0x11e: {  	s28 =	sadd.s32 $0x80, s28;
	[tilespmem:$0x1FFE0] =	vst v13;
	vm0 =	vlt.f32 v63, $0.0e+00;
	vm7 =	vmneg vm7;
	vm2 =	vmneg vm2  }
0x11f: {  	v6 =	vld [tilespmem:$0x1FE30];
	_ =	sdelay $0x4  }
0x120: {  	vm11 =	vmxor vm11, vm6;
	vm6 =	vnez.u8 v6;
	v6 =	vld [tilespmem:$0x1FFD0];
	_ =	sdelay $0x4  }
0x121: {  	vm7 =	vmxor vm7, vm1;
	vm1 =	vmneg vm15;
	vm15 =	vnez.u8 v6;
	v6 =	vld [tilespmem:$0x1FFE0];
	_ =	sdelay $0x4  }
0x122: {  	vm1 =	vmxor vm1, vm15;
	vm15 =	vnez.u8 v6;
	v6 =	vld [tilespmem:$0x1FF50];
	_ =	sdelay $0x4  }
0x123: {  	vm6 =	vmxor vm6, vm4;
	vm4 =	vmneg vm13;
	vm13 =	vnez.u8 v6;
	v6 =	vld [tilespmem:$0x1FFA0];
	_ =	sdelay $0x3  }
0x124: {  	vm0 =	vmneg vm0  }
0x125: {  	vm0 =	vmxor vm0, vm15;
	vm15 =	vnez.u8 v6;
	v6 =	vld [tilespmem:$0x1FF80];
	_ =	sdelay $0x4  }
0x126: {  	vm8 =	vmxor vm8, vm5;
	vm5 =	vmxor vm9, vm13;
	vm9 =	vnez.u8 v6;
	v6 =	vld [tilespmem:$0x1FFB0]  }
0x127: {  	v7 =	vld [tilespmem:$0x1FF70];
	_ =	sdelay $0x2  }
0x128: {  	vm12 =	vmneg vm12;
	vm0 =	vmor vm1, vm0  }
0x129: {  	vm13 =	vmneg vm14;
	vm1 =	vmxor vm4, vm15;
	vm14 =	vnez.u8 v6;
	v6 =	vld [tilespmem:$0x1FFC0]  }
0x12a: {  	vm0 =	vmor vm0, vm1;
	vm1 =	vmxor vm12, vm14;
	vm12 =	vnez.u8 v7;
	v7 =	vld [tilespmem:$0x1FF90];
	_ =	sdelay $0x3  }
0x12b: {  	vm15 =	vnez.u8 v6  }
0x12c: {  	vm4 =	vmxor vm10, vm9;
	vm9 =	vmxor vm13, vm15;
	vm13 =	vnez.u8 v7;
	v7 =	vld [tilespmem:$0x1FF40];
	_ =	sdelay $0x4  }
0x12d: {  	vm15 =	vnez.u8 v7;
	v7 =	vld [tilespmem:$0x1FE90];
	_ =	sdelay $0x2  }
0x12e: {  	vm10 =	vmor vm1, vm9;
	vm1 =	vmxor vm3, vm12  }
0x12f: {  	v6 =	vsel vm0, $0x3F800000, v0;
	vm0 =	vmor vm10, vm1;
	vm1 =	vmxor vm2, vm13  }
0x130: {  	vm14 =	vmor vm4, vm1;
	vm4 =	vnez.u8 v7;
	v7 =	vld [tilespmem:$0x1FF60];
	_ =	sdelay $0x4  }
0x131: {  	vm9 =	vnez.u8 v7;
	v7 =	vld [tilespmem:$0x1FEA0];
	_ =	sdelay $0x4  }
0x132: {  	vm10 =	vnez.u8 v7;
	v7 =	vld [tilespmem:$0x1FF20];
	_ =	sdelay $0x4  }
0x133: {  	vm13 =	vnez.u8 v7;
	v7 =	vld [tilespmem:$0x1FE70];
	_ =	sdelay $0x3  }
0x134: {  	v5 =	vadd.f32 v6, v5;
	vm1 =	vmxor vm4, vm15  }
0x135: {  	v6 =	vsel vm0, $0x3F800000, v0;
	vm0 =	vmor vm14, vm1;
	vm14 =	vnez.u8 v7;
	v7 =	vld [tilespmem:$0x1FF30];
	_ =	sdelay $0x4  }
0x136: {  	vm15 =	vnez.u8 v7;
	v7 =	vld [tilespmem:$0x1FE80];
	_ =	sdelay $0x4  }
0x137: {  	vm4 =	vnez.u8 v7;
	v7 =	vld [tilespmem:$0x1FF00];
	_ =	sdelay $0x4  }
0x138: {  	vm1 =	vmxor vm10, vm9;
	vm9 =	vnez.u8 v7;
	v7 =	vld [tilespmem:$0x1FE50];
	_ =	sdelay $0x4  }
0x139: {  	vm10 =	vnez.u8 v7;
	v7 =	vld [tilespmem:$0x1FF10];
	_ =	sdelay $0x2  }
0x13a: {  	v5 =	vadd.f32 v6, v5;
	vm12 =	vmor vm5, vm1;
	vm1 =	vmxor vm14, vm13  }
0x13b: {  	v6 =	vsel vm0, $0x3F800000, v0;
	vm0 =	vmor vm12, vm1;
	vm1 =	vmxor vm4, vm15  }
0x13c: {  	vm5 =	vmor vm11, vm1;
	vm11 =	vnez.u8 v7;
	v7 =	vld [tilespmem:$0x1FE60];
	_ =	sdelay $0x4  }
0x13d: {  	vm12 =	vnez.u8 v7;
	v7 =	vld [tilespmem:$0x1FEE0];
	_ =	sdelay $0x4  }
0x13e: {  	vm14 =	vnez.u8 v7;
	v7 =	vld [tilespmem:$0x1FE20];
	_ =	sdelay $0x4  }
0x13f: {  	vm15 =	vnez.u8 v7;
	v7 =	vld [tilespmem:$0x1FEF0];
	_ =	sdelay $0x4  }
0x140: {  	vm4 =	vnez.u8 v7;
	v7 =	vld [tilespmem:$0x1FE40];
	_ =	sdelay $0x3  }
0x141: {  	v5 =	vadd.f32 v6, v5;
	vm1 =	vmxor vm10, vm9  }
0x142: {  	v6 =	vsel vm0, $0x3F800000, v0;
	vm0 =	vmor vm5, vm1;
	vm5 =	vnez.u8 v7;
	v7 =	vld [tilespmem:$0x1FEC0];
	_ =	sdelay $0x4  }
0x143: {  	vm9 =	vnez.u8 v7;
	v7 =	vld [tilespmem:$0x1FDF0];
	_ =	sdelay $0x4  }
0x144: {  	vm10 =	vnez.u8 v7;
	v7 =	vld [tilespmem:$0x1FED0];
	_ =	sdelay $0x4  }
0x145: {  	vm1 =	vmxor vm12, vm11;
	vm11 =	vnez.u8 v7;
	v7 =	vld [tilespmem:$0x1FE00];
	_ =	sdelay $0x4  }
0x146: {  	vm12 =	vnez.u8 v7;
	v7 =	vld [tilespmem:$0x1FEB0];
	_ =	sdelay $0x3  }
0x147: {  	v5 =	vadd.f32 v6, v5  }
0x148: {  	vm13 =	vmor vm8, vm1;
	vm1 =	vmxor vm15, vm14;
	vm14 =	vnez.u8 v7;
	v7 =	vld [tilespmem:$0x1FDE0]  }
0x149: {  	v6 =	vsel vm0, $0x3F800000, v0  }
0x14a: {  	v5 =	vadd.f32 v6, v5;
	vm0 =	vmor vm13, vm1  }
0x14b: {  	v6 =	vsel vm0, $0x3F800000, v0;
	vm1 =	vmxor vm5, vm4  }
0x14c: {  	v5 =	vadd.f32 v6, v5;
	vm8 =	vmor vm6, vm1;
	vm1 =	vmxor vm10, vm9  }
0x14d: {  	vm0 =	vmor vm8, vm1;
	vm1 =	vmxor vm12, vm11;
	vm15 =	vnez.u8 v7  }
0x14e: {  	v6 =	vsel vm0, $0x3F800000, v0;
	vm13 =	vmor vm7, vm1;
	vm1 =	vmxor vm15, vm14  }
0x14f: {  	v5 =	vadd.f32 v6, v5;
	vm0 =	vmor vm13, vm1  }
0x150: {  	v6 =	vsel vm0, $0x3F800000, v0  }
0x151: {  	v5 =	vadd.f32 v6, v5  }
.LBB2_4:
0x152: {  	s26 =	sshra.s32 s31, $0x2  }
0x153: {  	v6 =	vld.idx.msk [tilespmem:v1+s26+$0x0 ss:$0x1], $0xffff  }
0x154: {  	v7 =	vld.idx.msk [tilespmem:v3+s26+$0x0 ss:$0x1], $0xffff  }
0x155: {  	v8 =	vld.idx.msk [tilespmem:v4+s26+$0x0 ss:$0x1], $0xffff;
	_ =	sdelay $0x2  }
0x156: {  	v9 =	vshrl.u32 v6, $0x1  }
0x157: {  	v10 =	vshrl.u32 v7, $0x1  }
0x158: {  	v11 =	vshrl.u32 v8, $0x1;
	_ =	sdelay $0x2  }
0x159: {  	v9 =	vld.idx.msk [tilespmem:v9+s5+$0x0], $0xffff  }
0x15a: {  	v10 =	vld.idx.msk [tilespmem:v10+s5+$0x0], $0xffff  }
0x15b: {  	v11 =	vld.idx.msk [tilespmem:v11+s5+$0x0], $0xffff  }
0x15c: {  	v6 =	vand.u32 $0x1, v6  }
0x15d: {  	vm1 =	veq.s32 v6, $0x1;
	v6 =	vand.u32 $0x1, v7  }
0x15e: {  	vm2 =	veq.s32 v6, $0x1;
	v6 =	vand.u32 $0x1, v8  }
0x15f: {  	vm14 =	veq.s32 v6, $0x1;
	vm0 =	vlt.f32 v9, $0.0e+00;
	vm3 =	vlt.f32 v10, $0.0e+00  }
0x160: {  	p1 =	sne.s32 s31, $0xC0;
	vm13 =	vlt.f32 v11, $0.0e+00;
	vm0 =	vmneg vm0;
	vm12 =	vmneg vm3  }
.Ltmp3:
0x161: {  	vm3 =	vmneg vm13;
	vm0 =	vmxor vm0, vm1;
	vm1 =	vmxor vm12, vm2;
	(pc) =	sbr.rel @p1 .LBB2_4-.Ltmp3, $4  }
0x162: {  	vm15 =	vmxor vm3, vm14;
	vm0 =	vmor vm0, vm1  }
0x163: {  	vm0 =	vmor vm0, vm15  }
0x164: {  	v6 =	vsel vm0, $0x3F800000, v0  }
0x165: {  	s31 =	sadd.s32 $0x40, s31;
	v5 =	vadd.f32 v6, v5  }
0x166: {  	v6 =	vld [tilespmem:s9+$0x2780]  }
0x167: {  	v10 =	vld [tilespmem:$0x1FFF0]  }
0x168: {  	v7 =	vld [tilespmem:s9+$0x3200]  }
0x169: {  	v8 =	vld [tilespmem:s9+$0x3C80];
	_ =	sdelay $0x2  }
0x16a: {  	v9 =	vshrl.u32 v6, $0x1;
	vm0 =	vnez.u8 v10  }
0x16b: {  	v63 =	vshrl.u32 v7, $0x1;
	v9 =	vnsel vm0, $0x0, v9  }
0x16c: {  	v11 =	vshrl.u32 v8, $0x1;
	v10 =	vnsel vm0, $0x0, v63  }
0x16d: {  	v11 =	vnsel vm0, $0x0, v11;
	_ =	sdelay $0x2  }
0x16e: {  	v9 =	vld.idx.msk [tilespmem:v9+s5+$0x0], $0xffff  }
0x16f: {  	v10 =	vld.idx.msk [tilespmem:v10+s5+$0x0], $0xffff  }
0x170: {  	v11 =	vld.idx.msk [tilespmem:v11+s5+$0x0], $0xffff  }
0x171: {  	v6 =	vand.u32 $0x1, v6  }
0x172: {  	vm1 =	veq.s32 v6, $0x1;
	v6 =	vand.u32 $0x1, v7  }
0x173: {  	vm2 =	veq.s32 v6, $0x1;
	v6 =	vand.u32 $0x1, v8  }
0x174: {  	vm14 =	veq.s32 v6, $0x1;
	vm11 =	vlt.f32 v9, $0.0e+00;
	vm3 =	vlt.f32 v10, $0.0e+00  }
0x175: {  	vm13 =	vlt.f32 v11, $0.0e+00;
	vm0 =	vmneg vm11;
	vm12 =	vmneg vm3  }
0x176: {  	vm3 =	vmneg vm13;
	vm0 =	vmxor vm0, vm1;
	vm1 =	vmxor vm12, vm2  }
0x177: {  	vm15 =	vmxor vm3, vm14;
	vm0 =	vmor vm0, vm1  }
0x178: {  	vm0 =	vmor vm0, vm15  }
0x179: {  	v6 =	vsel vm0, $0x3F800000, v2  }
0x17a: {  	v5 =	vadd.f32 v6, v5;
	_ =	sdelay $0x1  }
0x17b: {  	[tilespmem:$0x4700] =	vst v5  }
0x17c: {  	[spmem:s10] =	stream.linear.scatter [tilespmem:s20], [sflag:$0x3], $0x80, $0x38;
	[tilespmem:$0x5010] =	vst v63  }
.Ltmp4:
0x17d: {  	_ =	swait.ge [sflag:s21], $0x80;
	(pc) =	sbr.rel @p0 .LBB2_7-.Ltmp4, $3  }
0x17e: {  	[sflag:s21] =	ssyncset.done $0x0  }
0x17f: {  	[sflag:s21] =	ssyncadd.s32 $0xFFFFFF80  }
0x180: {  	[bflag:$0x0] =	sbarrier.arrive $0xFFFF;
	_ =	sdelay $0x1  }
0x181: {  	[tilespmem:s22], [sflag:$0x3] =	stream.linear.gather [spmem:s4], $0x800, $0x38;
	[tilespmem:$0x5010] =	vst v63  }
0x182: {  	_ =	swait.ge [sflag:s21], $0x800  }
0x183: {  	[sflag:s21] =	ssyncset.done $0x0  }
0x184: {  	[sflag:s21] =	ssyncadd.s32 $0xFFFFF800  }
0x185: {  	v5 =	vld [tilespmem:$0x4790]  }
0x186: {  	v6 =	vld [tilespmem:$0x4810];
	_ =	sdelay $0x1  }
0x187: {  	v7 =	vld [tilespmem:$0x4890];
	_ =	sdelay $0x1  }
0x188: {  	v8 =	vld [tilespmem:$0x4910]  }
0x189: {  	v5 =	vadd.f32 v6, v5  }
0x18a: {  	v6 =	vld [tilespmem:$0x4990]  }
0x18b: {  	v5 =	vadd.f32 v7, v5  }
0x18c: {  	v7 =	vld [tilespmem:$0x4A10]  }
0x18d: {  	v5 =	vadd.f32 v8, v5  }
0x18e: {  	v60 =	vld [tilespmem:$0x4A90]  }
0x18f: {  	v5 =	vadd.f32 v6, v5  }
0x190: {  	v6 =	vld [tilespmem:$0x4B10]  }
0x191: {  	v5 =	vadd.f32 v7, v5  }
0x192: {  	v7 =	vld [tilespmem:$0x4B90]  }
0x193: {  	v5 =	vadd.f32 v60, v5  }
0x194: {  	v61 =	vld [tilespmem:$0x4C10]  }
0x195: {  	v5 =	vadd.f32 v6, v5  }
0x196: {  	v6 =	vld [tilespmem:$0x4C90]  }
0x197: {  	v5 =	vadd.f32 v7, v5  }
0x198: {  	v7 =	vld [tilespmem:$0x4D10]  }
0x199: {  	v5 =	vadd.f32 v61, v5  }
0x19a: {  	v62 =	vld [tilespmem:$0x4D90]  }
0x19b: {  	v5 =	vadd.f32 v6, v5  }
0x19c: {  	v6 =	vld [tilespmem:$0x4E10]  }
0x19d: {  	v5 =	vadd.f32 v7, v5  }
0x19e: {  	v7 =	vld [tilespmem:$0x4E90]  }
0x19f: {  	v5 =	vadd.f32 v62, v5  }
0x1a0: {  	v63 =	vld [tilespmem:$0x4F10]  }
0x1a1: {  	v5 =	vadd.f32 v6, v5;
	_ =	sdelay $0x1  }
0x1a2: {  	v5 =	vadd.f32 v7, v5;
	_ =	sdelay $0x1  }
0x1a3: {  	v5 =	vadd.f32 v63, v5;
	_ =	sdelay $0x1  }
0x1a4: {  	(xrf2) =	vadd.scan.msk.f32 $0xffff, v5;
	_ =	sdelay $0x9  }
0x1a5: {  	v5, _, _ =	vpop (xrf2)  }
0x1a6: {  	(v2sf) =	vpush v5, $0xF;
	_ =	sdelay $0xe  }
0x1a7: {  	s26 =	spop (v2sf)  }
0x1a8: {  	s26 =	sadd.f32 $-4.223900000e+04, s26;
	_ =	sdelay $0x1  }
0x1a9: {  	s28 =	sand.u32 $0x80000000, s26;
	p1 =	slt.f32 s26, $0.0e+00  }
0x1aa: {  	p2 =	sgt.f32 s26, $0.0e+00;
	s28 =	sor.u32 s28, s23  }
0x1ab: {  	s26 =	smov.u32 @p1 s28  }
0x1ac: {  	s26 =	smov.u32 @p2 s28  }
0x1ad: {  	v5 =	vmov s26  }
0x1ae: {  	[tilespmem:$0x4F90] =	vst v5  }
0x1af: {  	[tilespmem:$0x4FA0] =	vst v5  }
0x1b0: {  	[tilespmem:$0x4FB0] =	vst v5  }
0x1b1: {  	[tilespmem:$0x4FC0] =	vst v5  }
0x1b2: {  	[tilespmem:$0x4FD0] =	vst v5  }
0x1b3: {  	[tilespmem:$0x4FE0] =	vst v5  }
0x1b4: {  	[tilespmem:$0x4FF0] =	vst v5  }
.Ltmp5:
0x1b5: {  	[tilespmem:$0x5000] =	vst v5;
	(pc) =	sbr.rel .LBB2_7-.Ltmp5, $4  }
0x1b6: {  	[hbm4b:s3+s5] =	stream.linear.scatter [tilespmem:s24], [sflag:$0x3], $0x80, $0x38;
	[tilespmem:$0x5010] =	vst v63  }
0x1b7: {  	_ =	swait.ge [sflag:s21], $0x80  }
0x1b8: {  	[sflag:s21] =	ssyncset.done $0x0  }
0x1b9: {  	[sflag:s21] =	ssyncadd.s32 $0xFFFFFF80  }
.LBB2_8:
0x1ba: {  	_ =	sfence.sel $0x180000  }
0x1bb: {  	[bflag:$0x0] =	sbarrier.arrive $0xFFFF  }
0x1bc: {  	p0 =	sne.s32 s0, $0x0;
	_ =	strace $0x90000047  }
0x1bd: {  	s0 =	sadd.s32 @!p0 $0x100000, s1;
	[bflag:$0x2] =	sbarrier.arrive $0xFFFF  }
0x1be: {  	[sflag:s0] =	ssyncadd.tile.s32 @!p0 $0x1;
	_ =	shalt  }
.Lfunc_end2:
_tile_overlayer_lowered:
.L_overlay_start_2:
0x1bf: {  	(tag) =	ssettag $0x2  }
0x1c0: {  	s0 =	rddreg [dreg:$0x0];
	s2 =	stileid.u32  }
0x1c1: {  	s1 =	rddreg [dreg:$0x1];
	p0 =	sne.s32 s2, $0x0  }
0x1c2: {  	s3 =	rddreg [dreg:$0x2];
	[bflag:$0x3] =	sbarrier.arrive $0xFFFF;
	s2 =	simm.s32 @!p0 $0x1C03  }
0x1c3: {  	[timem:s3], [sflag:s2] =	dma.local @!p0 [hbm:s0], s1  }
0x1c4: {  	s0 =	simm.s32 @!p0 $0x3  }
0x1c5: {  	_ =	swait.ge @!p0 [sflag:s0], s1  }
0x1c6: {  	s1 =	ssub.s32 @!p0 $0x0, s1;
	[sflag:s0] =	ssyncset.done @!p0 $0x0  }
0x1c7: {  	[sflag:s0] =	ssyncadd.s32 @!p0 s1  }
0x1c8: {  	[bflag:$0x3] =	sbarrier.arrive $0xFFFF  }
0x1c9: {  	_ =	shalt  }

</sc_bundles>
